<compile_context>
chip_gen: v7x
topology: tpu7x:2x2x1
jax: 0.10.2.dev20260603
libtpu: 0.0.44.dev20260713+nightly
codegen_flags: <defaults>
</compile_context>

<pallas_src>
import functools

import jax
import jax.numpy as jnp
from jax import lax
from jax.experimental import pallas as pl
from jax.experimental.pallas import tpu as pltpu
from jax.experimental.pallas import tpu_sc as plsc

NC = 2
NS = 16
L = 16
NW = NC * NS

N = 100000
CLS = 5
NY = 1024
YC = 19

G16 = N // L
GPW = 196
LAST_BASE = G16 - GPW
ZROWS = GPW * L
XCG = 28
XCR = XCG * L
XNCH = GPW // XCG

PCH = 6256
PLAST = N - 15 * PCH
PGC = 11
PCR = PGC * L
PNCH = 35
PXG = 6
PXR = PXG * L

YROWS = NY // NW

_mesh = plsc.VectorSubcoreMesh(core_axis_name="c", subcore_axis_name="s")


@functools.partial(
    pl.kernel,
    out_type=[
        jax.ShapeDtypeStruct((NY, 4), jnp.float32),
        jax.ShapeDtypeStruct((N, CLS), jnp.float32),
        jax.ShapeDtypeStruct((1, 3), jnp.float32),
        jax.ShapeDtypeStruct((N,), jnp.int32),
    ],
    mesh=_mesh,
    compiler_params=pltpu.CompilerParams(needs_layout_passes=False),
    scratch_types=[
        pltpu.VMEM((ZROWS,), jnp.int32),
        pltpu.VMEM((XCR, CLS), jnp.float32),
        pltpu.VMEM((YROWS, YC), jnp.float32),
        pltpu.VMEM((YROWS, 4), jnp.float32),
        pltpu.VMEM((PCR, 3), jnp.float32),
        pltpu.VMEM((L,), jnp.float32),
        pltpu.VMEM((NS * L,), jnp.float32),
        pltpu.VMEM((1, 3), jnp.float32),
        pltpu.VMEM_SHARED((NS * L,), jnp.float32),
        pltpu.SemaphoreType.DMA,
        pltpu.SemaphoreType.DMA,
        pltpu.SemaphoreType.DMA,
        pltpu.SemaphoreType.DMA,
        pltpu.SemaphoreType.DMA,
    ],
)
def _sc_transform(y_hbm, z_hbm, pos_hbm,
                  ysel_out, x_out, mean_out, z_out,
                  zbuf, xbuf, ybuf, youtbuf, posbuf,
                  partialbuf, sumbuf, mean3buf, shared,
                  sem_zin, sem_zout, sem_yin, sem_pos, sem_xout):
    c = lax.axis_index("c")
    s = lax.axis_index("s")
    w = c * NS + s
    ii = lax.iota(jnp.int32, L)
    zeros_i = ii - ii
    ones_i = zeros_i + 1
    fours_i = zeros_i + 4
    zeros_f = zeros_i.astype(jnp.float32)
    ones_f = zeros_f + 1.0

    base_g = jnp.minimum(w * GPW, LAST_BASE)
    row0 = base_g * L
    d_zin = pltpu.async_copy(z_hbm.at[pl.ds(row0, ZROWS)], zbuf, sem_zin)
    d_yin = pltpu.async_copy(y_hbm.at[pl.ds(w * YROWS, YROWS), :],
                             ybuf, sem_yin)
    pbase = s * PCH

    @pl.when(c == 0)
    def _pos_load0():
        pltpu.async_copy(pos_hbm.at[pl.ds(pbase, PCR), :], posbuf, sem_pos)

    d_zin.wait()
    d_zout = pltpu.async_copy(zbuf, z_out.at[pl.ds(row0, ZROWS)], sem_zout)

    def xchunk(ch, carry):
        def xbody(g, carry2):
            zv = zbuf[pl.ds((ch * XCG + g) * L, L)]
            z2 = zv - ones_i
            z2 = jnp.where(z2 != zeros_i, z2 - fours_i, z2)
            rows = ii + g * L
            for cc in range(CLS):
                ccv = zeros_i + cc
                v = jnp.where(z2 == ccv, ones_f, zeros_f)
                plsc.store_scatter(xbuf, [rows, ccv], v)
            return carry2

        lax.fori_loop(0, XCG, xbody, 0, unroll=4)
        pltpu.sync_copy(xbuf, x_out.at[pl.ds(row0 + ch * XCR, XCR), :])
        return carry

    lax.fori_loop(0, XNCH, xchunk, 0)

    d_yin.wait()
    for t in range(YROWS * 4 // L):
        p = ii + L * t
        m4 = p % 4
        col = 2 * m4 + jnp.where(m4 == 3, ones_i, zeros_i)
        rows = p // 4
        gv = plsc.load_gather(ybuf, [rows, col])
        plsc.store_scatter(youtbuf, [rows, m4], gv)
    pltpu.sync_copy(youtbuf, ysel_out.at[pl.ds(w * YROWS, YROWS), :])

    @pl.when(c == 0)
    def _pos_partials():
        def pchunk(chn, acc):
            pltpu.make_async_copy(pos_hbm.at[pl.ds(0, PCR), :],
                                  posbuf, sem_pos).wait()

            def pbody(i, acc2):
                a0, a1, a2 = acc2
                rows = ii + i * L
                a0 = a0 + plsc.load_gather(posbuf, [rows, zeros_i])
                a1 = a1 + plsc.load_gather(posbuf, [rows, ones_i])
                a2 = a2 + plsc.load_gather(posbuf, [rows, ones_i + 1])
                return (a0, a1, a2)

            acc = lax.fori_loop(0, PGC, pbody, acc, unroll=4)

            @pl.when(chn < PNCH - 1)
            def _next_load():
                pltpu.async_copy(
                    pos_hbm.at[pl.ds(pbase + (chn + 1) * PCR, PCR), :],
                    posbuf, sem_pos)
            return acc

        accs = lax.fori_loop(0, PNCH, pchunk, (zeros_f, zeros_f, zeros_f))

        @pl.when(s < NS - 1)
        def _tail_load():
            pltpu.async_copy(pos_hbm.at[pl.ds(pbase + PNCH * PCR, PXR), :],
                             posbuf.at[pl.ds(0, PXR), :], sem_pos)

        @pl.when(s < NS - 1)
        def _tail_wait():
            pltpu.make_async_copy(pos_hbm.at[pl.ds(0, PXR), :],
                                  posbuf.at[pl.ds(0, PXR), :], sem_pos).wait()

        taccs = list(accs)
        tmask = (zeros_i + s) < (zeros_i + NS - 1)
        for u in range(PXG):
            rows = ii + u * L
            for k in range(3):
                taccs[k] = taccs[k] + jnp.where(
                    tmask, plsc.load_gather(posbuf, [rows, zeros_i + k]),
                    zeros_f)
        pvec = zeros_f
        for j in range(3):
            tj_v = jnp.full((L,), jnp.sum(taccs[j]), jnp.float32)
            pvec = pvec + jnp.where(ii == j, tj_v, zeros_f)
        partialbuf[...] = pvec
        pltpu.sync_copy(partialbuf, shared.at[pl.ds(s * L, L)])

    plsc.subcore_barrier()

    @pl.when(jnp.logical_and(c == 0, s == 0))
    def _finalize_mean():
        pltpu.sync_copy(shared, sumbuf)
        tot = zeros_f
        for i in range(NS):
            tot = tot + sumbuf[pl.ds(i * L, L)]
        mvec = tot * (zeros_f + jnp.float32(1.0 / N))
        plsc.store_scatter(mean3buf, [zeros_i, ii], mvec, mask=ii < 3)
        pltpu.sync_copy(mean3buf, mean_out)

    d_zout.wait()


def kernel(y, z, pos):
    return tuple(_sc_transform(y, z, pos))

# --- scband reference (transcript-rebuilt; emitter-appended) ---
"""Pipeline reference for scband-transform-sample-61031485276404 (READ-ONLY COPY).

The authoritative reference and input builder live on the scoring server;
editing this copy changes nothing except your own understanding.
"""

import jax, jax.numpy as jnp
import numpy as np

SELECTED_FEATURES = jnp.array([0, 2, 4, 7], dtype=jnp.int32)
NUM_CLASSES = 5


def setup_inputs(seed: int = 0) -> dict:
    key = jax.random.key(seed)
    k1, k2 = jax.random.split(key)
    # per-graph targets (QM9-style: 19 regression targets)
    y = jax.random.normal(k1, (1024, 19), dtype=jnp.float32)
    # atomic numbers; fill=ones -> all hydrogens (z=1), which maps to class 0 after the
    # module's remapping (z-1, then nonzero -= 4). Keeps one_hot indices valid.
    z = jnp.ones((100000,), dtype=jnp.int32)
    # 3D atom positions
    pos = jax.random.normal(k2, (100000, 3), dtype=jnp.float32)
    return {"y": y, "z": z, "pos": pos}


def reference(y, z, pos):
    # data.y = data.y[:, self.selected_features]
    y_sel = jnp.take(y, SELECTED_FEATURES, axis=1)
    # radial_cutoff=False -> skip edge rebuild branch entirely
    # data.z_original = data.z.clone()
    z_original = z
    # data.z = data.z - 1; data.z[data.z != 0] -= 4
    z2 = z - 1
    z2 = jnp.where(z2 != 0, z2 - 4, z2)
    # data.x = one_hot(z, num_classes=5).float()  (scatter-style write)
    x = jax.nn.one_hot(z2, NUM_CLASSES, dtype=jnp.float32)
    # data.mean = mean(pos, dim=0).unsqueeze(0)
    mean = jnp.mean(pos, axis=0, keepdims=True)
    return (y_sel, x, mean, z_original)

if __name__ == "__main__":
    import jax
    _d = setup_inputs()
    print(jax.jit(kernel)(*tuple(_d.values())))

</pallas_src>

<mosaic_0001>
#map = affine_map<(d0, d1) -> (0, 0)>
#map1 = affine_map<(d0, d1) -> (0)>
module attributes {stable_mosaic.version = 14 : i64} {
  func.func @_sc_transform(%arg0: i32, %arg1: i32, %arg2: memref<1024x19xf32, #tpu.memory_space<hbm>>, %arg3: memref<100000xi32, #tpu.memory_space<hbm>>, %arg4: memref<100000x3xf32, #tpu.memory_space<hbm>>, %arg5: memref<1024x4xf32, #tpu.memory_space<hbm>>, %arg6: memref<100000x5xf32, #tpu.memory_space<hbm>>, %arg7: memref<1x3xf32, #tpu.memory_space<hbm>>, %arg8: memref<100000xi32, #tpu.memory_space<hbm>>, %arg9: memref<3136xi32, #tpu.memory_space<vmem>>, %arg10: memref<448x5xf32, #tpu.memory_space<vmem>>, %arg11: memref<32x19xf32, #tpu.memory_space<vmem>>, %arg12: memref<32x4xf32, #tpu.memory_space<vmem>>, %arg13: memref<176x3xf32, #tpu.memory_space<vmem>>, %arg14: memref<16xf32, #tpu.memory_space<vmem>>, %arg15: memref<256xf32, #tpu.memory_space<vmem>>, %arg16: memref<1x3xf32, #tpu.memory_space<vmem>>, %arg17: memref<256xf32, #tpu.memory_space<vmem_shared>>, %arg18: memref<!tpu.dma_semaphore, #tpu.memory_space<semaphore_mem>>, %arg19: memref<!tpu.dma_semaphore, #tpu.memory_space<semaphore_mem>>, %arg20: memref<!tpu.dma_semaphore, #tpu.memory_space<semaphore_mem>>, %arg21: memref<!tpu.dma_semaphore, #tpu.memory_space<semaphore_mem>>, %arg22: memref<!tpu.dma_semaphore, #tpu.memory_space<semaphore_mem>>) attributes {dimension_semantics = [#tpu.dimension_semantics<core_parallel>, #tpu.dimension_semantics<subcore_parallel>], iteration_bounds = array<i64: 2, 16>, scalar_prefetch = 0 : i64, scratch_operands = 14 : i64, tpu.core_type = #tpu.core_type<sc_vector_subcore>, window_params = [{transform_indices = #map}, {transform_indices = #map1}, {transform_indices = #map}, {transform_indices = #map}, {transform_indices = #map}, {transform_indices = #map}, {transform_indices = #map1}]} {
    %mul3A = arith.constant 16 : i32
    %mul3A_0 = arith.muli %arg0, %mul3A : i32
    %add3A = arith.addi %mul3A_0, %arg1 : i32
    %iota3A = tpu.iota {dimensions = array<i32: 0>} : vector<16xi32>
    %sub3A = arith.subi %iota3A, %iota3A : vector<16xi32>
    %add3A_1 = arith.constant 1 : i32
    %add3A_2 = vector.broadcast %add3A_1 : i32 to vector<16xi32>
    %add3A_3 = arith.addi %sub3A, %add3A_2 : vector<16xi32>
    %add3A_4 = arith.constant 4 : i32
    %add3A_5 = vector.broadcast %add3A_4 : i32 to vector<16xi32>
    %add3A_6 = arith.addi %sub3A, %add3A_5 : vector<16xi32>
    %convert_element_type3A = arith.sitofp %sub3A : vector<16xi32> to vector<16xf32>
    %add3A_7 = arith.constant 1.000000e+00 : f32
    %add3A_8 = vector.broadcast %add3A_7 : f32 to vector<16xf32>
    %add3A_9 = arith.addf %convert_element_type3A, %add3A_8 : vector<16xf32>
    %mul3A_10 = arith.constant 196 : i32
    %mul3A_11 = arith.muli %add3A, %mul3A_10 : i32
    %min3A = arith.constant 6054 : i32
    %min3A_12 = arith.minsi %mul3A_11, %min3A : i32
    %mul3A_13 = arith.constant 16 : i32
    %mul3A_14 = arith.muli %min3A_12, %mul3A_13 : i32
    %dma_start3A = tpu.memref_slice %arg3[%mul3A_14] : memref<100000xi32, #tpu.memory_space<hbm>> -> memref<3136xi32, #tpu.memory_space<hbm>>
    %dma_start3A_15 = tpu.memref_slice %arg3[%mul3A_14] : memref<100000xi32, #tpu.memory_space<hbm>> -> memref<3136xi32, #tpu.memory_space<hbm>>
    tpu.enqueue_dma source(%dma_start3A_15 : memref<3136xi32, #tpu.memory_space<hbm>>) target(%arg9 : memref<3136xi32, #tpu.memory_space<vmem>>) target_semaphore(%arg18 : memref<!tpu.dma_semaphore, #tpu.memory_space<semaphore_mem>>)
    %mul3A_16 = arith.constant 32 : i32
    %mul3A_17 = arith.muli %add3A, %mul3A_16 : i32
    %dma_start3A_18 = arith.constant 0 : i32
    %dma_start3A_19 = tpu.memref_slice %arg2[%mul3A_17, %dma_start3A_18] : memref<1024x19xf32, #tpu.memory_space<hbm>> -> memref<32x19xf32, #tpu.memory_space<hbm>>
    %dma_start3A_20 = arith.constant 0 : i32
    %dma_start3A_21 = tpu.memref_slice %arg2[%mul3A_17, %dma_start3A_20] : memref<1024x19xf32, #tpu.memory_space<hbm>> -> memref<32x19xf32, #tpu.memory_space<hbm>>
    tpu.enqueue_dma source(%dma_start3A_21 : memref<32x19xf32, #tpu.memory_space<hbm>>) target(%arg11 : memref<32x19xf32, #tpu.memory_space<vmem>>) target_semaphore(%arg20 : memref<!tpu.dma_semaphore, #tpu.memory_space<semaphore_mem>>)
    %mul3A_22 = arith.constant 6256 : i32
    %mul3A_23 = arith.muli %arg1, %mul3A_22 : i32
    %eq3A = arith.constant 0 : i32
    %eq3A_24 = arith.cmpi eq, %arg0, %eq3A : i32
    %convert_element_type3A_25 = arith.extui %eq3A_24 : i1 to i32
    %cond3A = arith.constant 0 : i32
    %cond3A_26 = arith.cmpi ne, %convert_element_type3A_25, %cond3A : i32
    scf.if %cond3A_26 {
      %dma_start3A_567 = arith.constant 0 : i32
      %dma_start3A_568 = tpu.memref_slice %arg4[%mul3A_23, %dma_start3A_567] : memref<100000x3xf32, #tpu.memory_space<hbm>> -> memref<176x3xf32, #tpu.memory_space<hbm>>
      %dma_start3A_569 = arith.constant 0 : i32
      %dma_start3A_570 = tpu.memref_slice %arg4[%mul3A_23, %dma_start3A_569] : memref<100000x3xf32, #tpu.memory_space<hbm>> -> memref<176x3xf32, #tpu.memory_space<hbm>>
      tpu.enqueue_dma source(%dma_start3A_570 : memref<176x3xf32, #tpu.memory_space<hbm>>) target(%arg13 : memref<176x3xf32, #tpu.memory_space<vmem>>) target_semaphore(%arg21 : memref<!tpu.dma_semaphore, #tpu.memory_space<semaphore_mem>>)
    } else {
    }
    %dma_wait3A = tpu.memref_slice %arg3[%mul3A_14] : memref<100000xi32, #tpu.memory_space<hbm>> -> memref<3136xi32, #tpu.memory_space<hbm>>
    %dma_wait3A_27 = tpu.memref_slice %arg3[%mul3A_14] : memref<100000xi32, #tpu.memory_space<hbm>> -> memref<3136xi32, #tpu.memory_space<hbm>>
    tpu.wait_dma2 semaphore(%arg18 : memref<!tpu.dma_semaphore, #tpu.memory_space<semaphore_mem>>) src(%dma_wait3A_27 : memref<3136xi32, #tpu.memory_space<hbm>>) dst(%arg9 : memref<3136xi32, #tpu.memory_space<vmem>>)
    %dma_start3A_28 = tpu.memref_slice %arg8[%mul3A_14] : memref<100000xi32, #tpu.memory_space<hbm>> -> memref<3136xi32, #tpu.memory_space<hbm>>
    %dma_start3A_29 = tpu.memref_slice %arg8[%mul3A_14] : memref<100000xi32, #tpu.memory_space<hbm>> -> memref<3136xi32, #tpu.memory_space<hbm>>
    tpu.enqueue_dma source(%arg9 : memref<3136xi32, #tpu.memory_space<vmem>>) target(%dma_start3A_29 : memref<3136xi32, #tpu.memory_space<hbm>>) target_semaphore(%arg19 : memref<!tpu.dma_semaphore, #tpu.memory_space<semaphore_mem>>)
    %scan3A = arith.constant 0 : i32
    %scan3A_30 = arith.constant 0 : i32
    %scan3A_31 = arith.constant 7 : i32
    %scan3A_32 = arith.addi %scan3A_30, %scan3A_31 : i32
    %scan3A_33 = arith.constant 1 : i32
    scf.for %scan3A_567 = %scan3A_30 to %scan3A_32 step %scan3A_33  : i32 {
      %scan3A_568 = arith.constant 0 : i32
      %scan3A_569 = arith.constant 0 : i32
      %scan3A_570 = arith.constant 28 : i32
      %scan3A_571 = arith.addi %scan3A_569, %scan3A_570 : i32
      %scan3A_572 = arith.constant 4 : i32
      scf.for %scan3A_577 = %scan3A_569 to %scan3A_571 step %scan3A_572  : i32 {
        %mul3A_578 = arith.constant 28 : i32
        %mul3A_579 = arith.muli %scan3A_567, %mul3A_578 : i32
        %add3A_580 = arith.addi %mul3A_579, %scan3A_577 : i32
        %mul3A_581 = arith.constant 16 : i32
        %mul3A_582 = arith.muli %add3A_580, %mul3A_581 : i32
        %get3A = arith.index_cast %mul3A_582 : i32 to index
        %get3A_583 = tpu.vector_load %arg9[%get3A] {strides = array<i32>} : memref<3136xi32, #tpu.memory_space<vmem>>, vector<16xi32>,
        %sub3A_584 = arith.subi %get3A_583, %add3A_3 : vector<16xi32>
        %ne3A_585 = arith.cmpi ne, %sub3A_584, %sub3A : vector<16xi32>
        %sub3A_586 = arith.subi %sub3A_584, %add3A_6 : vector<16xi32>
        %select_n3A_587 = arith.select %ne3A_585, %sub3A_586, %sub3A_584 : vector<16xi1>, vector<16xi32>
        %mul3A_588 = arith.constant 16 : i32
        %mul3A_589 = arith.muli %scan3A_577, %mul3A_588 : i32
        %add3A_590 = vector.broadcast %mul3A_589 : i32 to vector<16xi32>
        %add3A_591 = arith.addi %iota3A, %add3A_590 : vector<16xi32>
        %add3A_592 = arith.constant 0 : i32
        %add3A_593 = vector.broadcast %add3A_592 : i32 to vector<16xi32>
        %add3A_594 = arith.addi %sub3A, %add3A_593 : vector<16xi32>
        %eq3A_595 = arith.cmpi eq, %select_n3A_587, %add3A_594 : vector<16xi32>
        %select_n3A_596 = arith.select %eq3A_595, %add3A_9, %convert_element_type3A : vector<16xi1>, vector<16xf32>
        tpu.vector_store_idx %arg10[%add3A_591, %add3A_594], %select_n3A_596 : memref<448x5xf32, #tpu.memory_space<vmem>>[vector<16xi32>, vector<16xi32>], vector<16xf32>,
        %add3A_597 = arith.constant 1 : i32
        %add3A_598 = vector.broadcast %add3A_597 : i32 to vector<16xi32>
        %add3A_599 = arith.addi %sub3A, %add3A_598 : vector<16xi32>
        %eq3A_600 = arith.cmpi eq, %select_n3A_587, %add3A_599 : vector<16xi32>
        %select_n3A_601 = arith.select %eq3A_600, %add3A_9, %convert_element_type3A : vector<16xi1>, vector<16xf32>
        tpu.vector_store_idx %arg10[%add3A_591, %add3A_599], %select_n3A_601 : memref<448x5xf32, #tpu.memory_space<vmem>>[vector<16xi32>, vector<16xi32>], vector<16xf32>,
        %add3A_602 = arith.constant 2 : i32
        %add3A_603 = vector.broadcast %add3A_602 : i32 to vector<16xi32>
        %add3A_604 = arith.addi %sub3A, %add3A_603 : vector<16xi32>
        %eq3A_605 = arith.cmpi eq, %select_n3A_587, %add3A_604 : vector<16xi32>
        %select_n3A_606 = arith.select %eq3A_605, %add3A_9, %convert_element_type3A : vector<16xi1>, vector<16xf32>
        tpu.vector_store_idx %arg10[%add3A_591, %add3A_604], %select_n3A_606 : memref<448x5xf32, #tpu.memory_space<vmem>>[vector<16xi32>, vector<16xi32>], vector<16xf32>,
        %add3A_607 = arith.constant 3 : i32
        %add3A_608 = vector.broadcast %add3A_607 : i32 to vector<16xi32>
        %add3A_609 = arith.addi %sub3A, %add3A_608 : vector<16xi32>
        %eq3A_610 = arith.cmpi eq, %select_n3A_587, %add3A_609 : vector<16xi32>
        %select_n3A_611 = arith.select %eq3A_610, %add3A_9, %convert_element_type3A : vector<16xi1>, vector<16xf32>
        tpu.vector_store_idx %arg10[%add3A_591, %add3A_609], %select_n3A_611 : memref<448x5xf32, #tpu.memory_space<vmem>>[vector<16xi32>, vector<16xi32>], vector<16xf32>,
        %add3A_612 = arith.constant 4 : i32
        %add3A_613 = vector.broadcast %add3A_612 : i32 to vector<16xi32>
        %add3A_614 = arith.addi %sub3A, %add3A_613 : vector<16xi32>
        %eq3A_615 = arith.cmpi eq, %select_n3A_587, %add3A_614 : vector<16xi32>
        %select_n3A_616 = arith.select %eq3A_615, %add3A_9, %convert_element_type3A : vector<16xi1>, vector<16xf32>
        tpu.vector_store_idx %arg10[%add3A_591, %add3A_614], %select_n3A_616 : memref<448x5xf32, #tpu.memory_space<vmem>>[vector<16xi32>, vector<16xi32>], vector<16xf32>,
        %scan3A_617 = arith.constant 1 : i32
        %scan3A_618 = arith.addi %scan3A_577, %scan3A_617 : i32
        %mul3A_619 = arith.constant 28 : i32
        %mul3A_620 = arith.muli %scan3A_567, %mul3A_619 : i32
        %add3A_621 = arith.addi %mul3A_620, %scan3A_618 : i32
        %mul3A_622 = arith.constant 16 : i32
        %mul3A_623 = arith.muli %add3A_621, %mul3A_622 : i32
        %get3A_624 = arith.index_cast %mul3A_623 : i32 to index
        %get3A_625 = tpu.vector_load %arg9[%get3A_624] {strides = array<i32>} : memref<3136xi32, #tpu.memory_space<vmem>>, vector<16xi32>,
        %sub3A_626 = arith.subi %get3A_625, %add3A_3 : vector<16xi32>
        %ne3A_627 = arith.cmpi ne, %sub3A_626, %sub3A : vector<16xi32>
        %sub3A_628 = arith.subi %sub3A_626, %add3A_6 : vector<16xi32>
        %select_n3A_629 = arith.select %ne3A_627, %sub3A_628, %sub3A_626 : vector<16xi1>, vector<16xi32>
        %mul3A_630 = arith.constant 16 : i32
        %mul3A_631 = arith.muli %scan3A_618, %mul3A_630 : i32
        %add3A_632 = vector.broadcast %mul3A_631 : i32 to vector<16xi32>
        %add3A_633 = arith.addi %iota3A, %add3A_632 : vector<16xi32>
        %add3A_634 = arith.constant 0 : i32
        %add3A_635 = vector.broadcast %add3A_634 : i32 to vector<16xi32>
        %add3A_636 = arith.addi %sub3A, %add3A_635 : vector<16xi32>
        %eq3A_637 = arith.cmpi eq, %select_n3A_629, %add3A_636 : vector<16xi32>
        %select_n3A_638 = arith.select %eq3A_637, %add3A_9, %convert_element_type3A : vector<16xi1>, vector<16xf32>
        tpu.vector_store_idx %arg10[%add3A_633, %add3A_636], %select_n3A_638 : memref<448x5xf32, #tpu.memory_space<vmem>>[vector<16xi32>, vector<16xi32>], vector<16xf32>,
        %add3A_639 = arith.constant 1 : i32
        %add3A_640 = vector.broadcast %add3A_639 : i32 to vector<16xi32>
        %add3A_641 = arith.addi %sub3A, %add3A_640 : vector<16xi32>
        %eq3A_642 = arith.cmpi eq, %select_n3A_629, %add3A_641 : vector<16xi32>
        %select_n3A_643 = arith.select %eq3A_642, %add3A_9, %convert_element_type3A : vector<16xi1>, vector<16xf32>
        tpu.vector_store_idx %arg10[%add3A_633, %add3A_641], %select_n3A_643 : memref<448x5xf32, #tpu.memory_space<vmem>>[vector<16xi32>, vector<16xi32>], vector<16xf32>,
        %add3A_644 = arith.constant 2 : i32
        %add3A_645 = vector.broadcast %add3A_644 : i32 to vector<16xi32>
        %add3A_646 = arith.addi %sub3A, %add3A_645 : vector<16xi32>
        %eq3A_647 = arith.cmpi eq, %select_n3A_629, %add3A_646 : vector<16xi32>
        %select_n3A_648 = arith.select %eq3A_647, %add3A_9, %convert_element_type3A : vector<16xi1>, vector<16xf32>
        tpu.vector_store_idx %arg10[%add3A_633, %add3A_646], %select_n3A_648 : memref<448x5xf32, #tpu.memory_space<vmem>>[vector<16xi32>, vector<16xi32>], vector<16xf32>,
        %add3A_649 = arith.constant 3 : i32
        %add3A_650 = vector.broadcast %add3A_649 : i32 to vector<16xi32>
        %add3A_651 = arith.addi %sub3A, %add3A_650 : vector<16xi32>
        %eq3A_652 = arith.cmpi eq, %select_n3A_629, %add3A_651 : vector<16xi32>
        %select_n3A_653 = arith.select %eq3A_652, %add3A_9, %convert_element_type3A : vector<16xi1>, vector<16xf32>
        tpu.vector_store_idx %arg10[%add3A_633, %add3A_651], %select_n3A_653 : memref<448x5xf32, #tpu.memory_space<vmem>>[vector<16xi32>, vector<16xi32>], vector<16xf32>,
        %add3A_654 = arith.constant 4 : i32
        %add3A_655 = vector.broadcast %add3A_654 : i32 to vector<16xi32>
        %add3A_656 = arith.addi %sub3A, %add3A_655 : vector<16xi32>
        %eq3A_657 = arith.cmpi eq, %select_n3A_629, %add3A_656 : vector<16xi32>
        %select_n3A_658 = arith.select %eq3A_657, %add3A_9, %convert_element_type3A : vector<16xi1>, vector<16xf32>
        tpu.vector_store_idx %arg10[%add3A_633, %add3A_656], %select_n3A_658 : memref<448x5xf32, #tpu.memory_space<vmem>>[vector<16xi32>, vector<16xi32>], vector<16xf32>,
        %scan3A_659 = arith.constant 2 : i32
        %scan3A_660 = arith.addi %scan3A_577, %scan3A_659 : i32
        %mul3A_661 = arith.constant 28 : i32
        %mul3A_662 = arith.muli %scan3A_567, %mul3A_661 : i32
        %add3A_663 = arith.addi %mul3A_662, %scan3A_660 : i32
        %mul3A_664 = arith.constant 16 : i32
        %mul3A_665 = arith.muli %add3A_663, %mul3A_664 : i32
        %get3A_666 = arith.index_cast %mul3A_665 : i32 to index
        %get3A_667 = tpu.vector_load %arg9[%get3A_666] {strides = array<i32>} : memref<3136xi32, #tpu.memory_space<vmem>>, vector<16xi32>,
        %sub3A_668 = arith.subi %get3A_667, %add3A_3 : vector<16xi32>
        %ne3A_669 = arith.cmpi ne, %sub3A_668, %sub3A : vector<16xi32>
        %sub3A_670 = arith.subi %sub3A_668, %add3A_6 : vector<16xi32>
        %select_n3A_671 = arith.select %ne3A_669, %sub3A_670, %sub3A_668 : vector<16xi1>, vector<16xi32>
        %mul3A_672 = arith.constant 16 : i32
        %mul3A_673 = arith.muli %scan3A_660, %mul3A_672 : i32
        %add3A_674 = vector.broadcast %mul3A_673 : i32 to vector<16xi32>
        %add3A_675 = arith.addi %iota3A, %add3A_674 : vector<16xi32>
        %add3A_676 = arith.constant 0 : i32
        %add3A_677 = vector.broadcast %add3A_676 : i32 to vector<16xi32>
        %add3A_678 = arith.addi %sub3A, %add3A_677 : vector<16xi32>
        %eq3A_679 = arith.cmpi eq, %select_n3A_671, %add3A_678 : vector<16xi32>
        %select_n3A_680 = arith.select %eq3A_679, %add3A_9, %convert_element_type3A : vector<16xi1>, vector<16xf32>
        tpu.vector_store_idx %arg10[%add3A_675, %add3A_678], %select_n3A_680 : memref<448x5xf32, #tpu.memory_space<vmem>>[vector<16xi32>, vector<16xi32>], vector<16xf32>,
        %add3A_681 = arith.constant 1 : i32
        %add3A_682 = vector.broadcast %add3A_681 : i32 to vector<16xi32>
        %add3A_683 = arith.addi %sub3A, %add3A_682 : vector<16xi32>
        %eq3A_684 = arith.cmpi eq, %select_n3A_671, %add3A_683 : vector<16xi32>
        %select_n3A_685 = arith.select %eq3A_684, %add3A_9, %convert_element_type3A : vector<16xi1>, vector<16xf32>
        tpu.vector_store_idx %arg10[%add3A_675, %add3A_683], %select_n3A_685 : memref<448x5xf32, #tpu.memory_space<vmem>>[vector<16xi32>, vector<16xi32>], vector<16xf32>,
        %add3A_686 = arith.constant 2 : i32
        %add3A_687 = vector.broadcast %add3A_686 : i32 to vector<16xi32>
        %add3A_688 = arith.addi %sub3A, %add3A_687 : vector<16xi32>
        %eq3A_689 = arith.cmpi eq, %select_n3A_671, %add3A_688 : vector<16xi32>
        %select_n3A_690 = arith.select %eq3A_689, %add3A_9, %convert_element_type3A : vector<16xi1>, vector<16xf32>
        tpu.vector_store_idx %arg10[%add3A_675, %add3A_688], %select_n3A_690 : memref<448x5xf32, #tpu.memory_space<vmem>>[vector<16xi32>, vector<16xi32>], vector<16xf32>,
        %add3A_691 = arith.constant 3 : i32
        %add3A_692 = vector.broadcast %add3A_691 : i32 to vector<16xi32>
        %add3A_693 = arith.addi %sub3A, %add3A_692 : vector<16xi32>
        %eq3A_694 = arith.cmpi eq, %select_n3A_671, %add3A_693 : vector<16xi32>
        %select_n3A_695 = arith.select %eq3A_694, %add3A_9, %convert_element_type3A : vector<16xi1>, vector<16xf32>
        tpu.vector_store_idx %arg10[%add3A_675, %add3A_693], %select_n3A_695 : memref<448x5xf32, #tpu.memory_space<vmem>>[vector<16xi32>, vector<16xi32>], vector<16xf32>,
        %add3A_696 = arith.constant 4 : i32
        %add3A_697 = vector.broadcast %add3A_696 : i32 to vector<16xi32>
        %add3A_698 = arith.addi %sub3A, %add3A_697 : vector<16xi32>
        %eq3A_699 = arith.cmpi eq, %select_n3A_671, %add3A_698 : vector<16xi32>
        %select_n3A_700 = arith.select %eq3A_699, %add3A_9, %convert_element_type3A : vector<16xi1>, vector<16xf32>
        tpu.vector_store_idx %arg10[%add3A_675, %add3A_698], %select_n3A_700 : memref<448x5xf32, #tpu.memory_space<vmem>>[vector<16xi32>, vector<16xi32>], vector<16xf32>,
        %scan3A_701 = arith.constant 3 : i32
        %scan3A_702 = arith.addi %scan3A_577, %scan3A_701 : i32
        %mul3A_703 = arith.constant 28 : i32
        %mul3A_704 = arith.muli %scan3A_567, %mul3A_703 : i32
        %add3A_705 = arith.addi %mul3A_704, %scan3A_702 : i32
        %mul3A_706 = arith.constant 16 : i32
        %mul3A_707 = arith.muli %add3A_705, %mul3A_706 : i32
        %get3A_708 = arith.index_cast %mul3A_707 : i32 to index
        %get3A_709 = tpu.vector_load %arg9[%get3A_708] {strides = array<i32>} : memref<3136xi32, #tpu.memory_space<vmem>>, vector<16xi32>,
        %sub3A_710 = arith.subi %get3A_709, %add3A_3 : vector<16xi32>
        %ne3A_711 = arith.cmpi ne, %sub3A_710, %sub3A : vector<16xi32>
        %sub3A_712 = arith.subi %sub3A_710, %add3A_6 : vector<16xi32>
        %select_n3A_713 = arith.select %ne3A_711, %sub3A_712, %sub3A_710 : vector<16xi1>, vector<16xi32>
        %mul3A_714 = arith.constant 16 : i32
        %mul3A_715 = arith.muli %scan3A_702, %mul3A_714 : i32
        %add3A_716 = vector.broadcast %mul3A_715 : i32 to vector<16xi32>
        %add3A_717 = arith.addi %iota3A, %add3A_716 : vector<16xi32>
        %add3A_718 = arith.constant 0 : i32
        %add3A_719 = vector.broadcast %add3A_718 : i32 to vector<16xi32>
        %add3A_720 = arith.addi %sub3A, %add3A_719 : vector<16xi32>
        %eq3A_721 = arith.cmpi eq, %select_n3A_713, %add3A_720 : vector<16xi32>
        %select_n3A_722 = arith.select %eq3A_721, %add3A_9, %convert_element_type3A : vector<16xi1>, vector<16xf32>
        tpu.vector_store_idx %arg10[%add3A_717, %add3A_720], %select_n3A_722 : memref<448x5xf32, #tpu.memory_space<vmem>>[vector<16xi32>, vector<16xi32>], vector<16xf32>,
        %add3A_723 = arith.constant 1 : i32
        %add3A_724 = vector.broadcast %add3A_723 : i32 to vector<16xi32>
        %add3A_725 = arith.addi %sub3A, %add3A_724 : vector<16xi32>
        %eq3A_726 = arith.cmpi eq, %select_n3A_713, %add3A_725 : vector<16xi32>
        %select_n3A_727 = arith.select %eq3A_726, %add3A_9, %convert_element_type3A : vector<16xi1>, vector<16xf32>
        tpu.vector_store_idx %arg10[%add3A_717, %add3A_725], %select_n3A_727 : memref<448x5xf32, #tpu.memory_space<vmem>>[vector<16xi32>, vector<16xi32>], vector<16xf32>,
        %add3A_728 = arith.constant 2 : i32
        %add3A_729 = vector.broadcast %add3A_728 : i32 to vector<16xi32>
        %add3A_730 = arith.addi %sub3A, %add3A_729 : vector<16xi32>
        %eq3A_731 = arith.cmpi eq, %select_n3A_713, %add3A_730 : vector<16xi32>
        %select_n3A_732 = arith.select %eq3A_731, %add3A_9, %convert_element_type3A : vector<16xi1>, vector<16xf32>
        tpu.vector_store_idx %arg10[%add3A_717, %add3A_730], %select_n3A_732 : memref<448x5xf32, #tpu.memory_space<vmem>>[vector<16xi32>, vector<16xi32>], vector<16xf32>,
        %add3A_733 = arith.constant 3 : i32
        %add3A_734 = vector.broadcast %add3A_733 : i32 to vector<16xi32>
        %add3A_735 = arith.addi %sub3A, %add3A_734 : vector<16xi32>
        %eq3A_736 = arith.cmpi eq, %select_n3A_713, %add3A_735 : vector<16xi32>
        %select_n3A_737 = arith.select %eq3A_736, %add3A_9, %convert_element_type3A : vector<16xi1>, vector<16xf32>
        tpu.vector_store_idx %arg10[%add3A_717, %add3A_735], %select_n3A_737 : memref<448x5xf32, #tpu.memory_space<vmem>>[vector<16xi32>, vector<16xi32>], vector<16xf32>,
        %add3A_738 = arith.constant 4 : i32
        %add3A_739 = vector.broadcast %add3A_738 : i32 to vector<16xi32>
        %add3A_740 = arith.addi %sub3A, %add3A_739 : vector<16xi32>
        %eq3A_741 = arith.cmpi eq, %select_n3A_713, %add3A_740 : vector<16xi32>
        %select_n3A_742 = arith.select %eq3A_741, %add3A_9, %convert_element_type3A : vector<16xi1>, vector<16xf32>
        tpu.vector_store_idx %arg10[%add3A_717, %add3A_740], %select_n3A_742 : memref<448x5xf32, #tpu.memory_space<vmem>>[vector<16xi32>, vector<16xi32>], vector<16xf32>,
      }
      %scan3A_573 = arith.constant 28 : i32
      %mul3A_574 = arith.constant 448 : i32
      %mul3A_575 = arith.muli %scan3A_567, %mul3A_574 : i32
      %add3A_576 = arith.addi %mul3A_14, %mul3A_575 : i32
      "tpu.region"() ({
        %run_scoped3A = tpu.sem_alloc : memref<!tpu.dma_semaphore, #tpu.memory_space<semaphore_mem>>
        %dma_start3A_577 = arith.constant 0 : i32
        %dma_start3A_578 = tpu.memref_slice %arg6[%add3A_576, %dma_start3A_577] : memref<100000x5xf32, #tpu.memory_space<hbm>> -> memref<448x5xf32, #tpu.memory_space<hbm>>
        %dma_start3A_579 = arith.constant 0 : i32
        %dma_start3A_580 = tpu.memref_slice %arg6[%add3A_576, %dma_start3A_579] : memref<100000x5xf32, #tpu.memory_space<hbm>> -> memref<448x5xf32, #tpu.memory_space<hbm>>
        tpu.enqueue_dma source(%arg10 : memref<448x5xf32, #tpu.memory_space<vmem>>) target(%dma_start3A_580 : memref<448x5xf32, #tpu.memory_space<hbm>>) target_semaphore(%run_scoped3A : memref<!tpu.dma_semaphore, #tpu.memory_space<semaphore_mem>>)
        %dma_wait3A_581 = arith.constant 0 : i32
        %dma_wait3A_582 = tpu.memref_slice %arg6[%add3A_576, %dma_wait3A_581] : memref<100000x5xf32, #tpu.memory_space<hbm>> -> memref<448x5xf32, #tpu.memory_space<hbm>>
        %dma_wait3A_583 = arith.constant 0 : i32
        %dma_wait3A_584 = tpu.memref_slice %arg6[%add3A_576, %dma_wait3A_583] : memref<100000x5xf32, #tpu.memory_space<hbm>> -> memref<448x5xf32, #tpu.memory_space<hbm>>
        tpu.wait_dma2 semaphore(%run_scoped3A : memref<!tpu.dma_semaphore, #tpu.memory_space<semaphore_mem>>) src(%arg10 : memref<448x5xf32, #tpu.memory_space<vmem>>) dst(%dma_wait3A_584 : memref<448x5xf32, #tpu.memory_space<hbm>>)
        tpu.yield
      }) : () -> ()
    }
    %scan3A_34 = arith.constant 7 : i32
    %dma_wait3A_35 = arith.constant 0 : i32
    %dma_wait3A_36 = tpu.memref_slice %arg2[%mul3A_17, %dma_wait3A_35] : memref<1024x19xf32, #tpu.memory_space<hbm>> -> memref<32x19xf32, #tpu.memory_space<hbm>>
    %dma_wait3A_37 = arith.constant 0 : i32
    %dma_wait3A_38 = tpu.memref_slice %arg2[%mul3A_17, %dma_wait3A_37] : memref<1024x19xf32, #tpu.memory_space<hbm>> -> memref<32x19xf32, #tpu.memory_space<hbm>>
    tpu.wait_dma2 semaphore(%arg20 : memref<!tpu.dma_semaphore, #tpu.memory_space<semaphore_mem>>) src(%dma_wait3A_38 : memref<32x19xf32, #tpu.memory_space<hbm>>) dst(%arg11 : memref<32x19xf32, #tpu.memory_space<vmem>>)
    %add3A_39 = arith.constant 0 : i32
    %add3A_40 = vector.broadcast %add3A_39 : i32 to vector<16xi32>
    %add3A_41 = arith.addi %iota3A, %add3A_40 : vector<16xi32>
    %jit3A = arith.constant 4 : i32
    %eq3A_42 = arith.constant 0 : i32
    %eq3A_43 = arith.cmpi eq, %jit3A, %eq3A_42 : i32
    %jit3A_44 = arith.constant 1 : i32
    %select_n3A = arith.select %eq3A_43, %jit3A_44, %jit3A : i32
    %rem3A = vector.broadcast %select_n3A : i32 to vector<16xi32>
    %rem3A_45 = arith.remsi %add3A_41, %rem3A : vector<16xi32>
    %ne3A = arith.constant 0 : i32
    %ne3A_46 = vector.broadcast %ne3A : i32 to vector<16xi32>
    %ne3A_47 = arith.cmpi ne, %rem3A_45, %ne3A_46 : vector<16xi32>
    %lt3A = arith.constant 0 : i32
    %lt3A_48 = vector.broadcast %lt3A : i32 to vector<16xi32>
    %lt3A_49 = arith.cmpi slt, %rem3A_45, %lt3A_48 : vector<16xi32>
    %lt3A_50 = arith.constant 0 : i32
    %lt3A_51 = arith.cmpi slt, %select_n3A, %lt3A_50 : i32
    %ne3A_52 = vector.broadcast %lt3A_51 : i1 to vector<16xi1>
    %ne3A_53 = vector.broadcast %ne3A_52 : vector<16xi1> to vector<16xi1>
    %ne3A_54 = arith.xori %lt3A_49, %ne3A_53 : vector<16xi1>
    %and3A = arith.andi %ne3A_54, %ne3A_47 : vector<16xi1>
    %add3A_55 = vector.broadcast %select_n3A : i32 to vector<16xi32>
    %add3A_56 = arith.addi %rem3A_45, %add3A_55 : vector<16xi32>
    %select_n3A_57 = arith.select %and3A, %add3A_56, %rem3A_45 : vector<16xi1>, vector<16xi32>
    %mul3A_58 = arith.constant 2 : i32
    %mul3A_59 = vector.broadcast %mul3A_58 : i32 to vector<16xi32>
    %mul3A_60 = arith.muli %mul3A_59, %select_n3A_57 : vector<16xi32>
    %eq3A_61 = arith.constant 3 : i32
    %eq3A_62 = vector.broadcast %eq3A_61 : i32 to vector<16xi32>
    %eq3A_63 = arith.cmpi eq, %select_n3A_57, %eq3A_62 : vector<16xi32>
    %select_n3A_64 = arith.select %eq3A_63, %add3A_3, %sub3A : vector<16xi1>, vector<16xi32>
    %add3A_65 = arith.addi %mul3A_60, %select_n3A_64 : vector<16xi32>
    %jit3A_66 = arith.constant 4 : i32
    %div3A = vector.broadcast %jit3A_66 : i32 to vector<16xi32>
    %div3A_67 = arith.divsi %add3A_41, %div3A : vector<16xi32>
    %sign3A = arith.constant 0 : i32
    %sign3A_68 = vector.broadcast %sign3A : i32 to vector<16xi32>
    %sign3A_69 = arith.cmpi sgt, %add3A_41, %sign3A_68 : vector<16xi32>
    %sign3A_70 = arith.extui %sign3A_69 : vector<16xi1> to vector<16xi32>
    %sign3A_71 = arith.constant 0 : i32
    %sign3A_72 = vector.broadcast %sign3A_71 : i32 to vector<16xi32>
    %sign3A_73 = arith.cmpi slt, %add3A_41, %sign3A_72 : vector<16xi32>
    %sign3A_74 = arith.extui %sign3A_73 : vector<16xi1> to vector<16xi32>
    %sign3A_75 = arith.subi %sign3A_70, %sign3A_74 : vector<16xi32>
    %sign3A_76 = arith.constant 0 : i32
    %sign3A_77 = arith.cmpi sgt, %jit3A_66, %sign3A_76 : i32
    %sign3A_78 = arith.extui %sign3A_77 : i1 to i32
    %sign3A_79 = arith.constant 0 : i32
    %sign3A_80 = arith.cmpi slt, %jit3A_66, %sign3A_79 : i32
    %sign3A_81 = arith.extui %sign3A_80 : i1 to i32
    %sign3A_82 = arith.subi %sign3A_78, %sign3A_81 : i32
    %ne3A_83 = vector.broadcast %sign3A_82 : i32 to vector<16xi32>
    %ne3A_84 = arith.cmpi ne, %sign3A_75, %ne3A_83 : vector<16xi32>
    %rem3A_85 = vector.broadcast %jit3A_66 : i32 to vector<16xi32>
    %rem3A_86 = arith.remsi %add3A_41, %rem3A_85 : vector<16xi32>
    %ne3A_87 = arith.constant 0 : i32
    %ne3A_88 = vector.broadcast %ne3A_87 : i32 to vector<16xi32>
    %ne3A_89 = arith.cmpi ne, %rem3A_86, %ne3A_88 : vector<16xi32>
    %and3A_90 = arith.andi %ne3A_84, %ne3A_89 : vector<16xi1>
    %sub3A_91 = arith.constant 1 : i32
    %sub3A_92 = vector.broadcast %sub3A_91 : i32 to vector<16xi32>
    %sub3A_93 = arith.subi %div3A_67, %sub3A_92 : vector<16xi32>
    %select_n3A_94 = arith.select %and3A_90, %sub3A_93, %div3A_67 : vector<16xi1>, vector<16xi32>
    %gather3A = tpu.vector_load_idx %arg11[%select_n3A_94, %add3A_65] : memref<32x19xf32, #tpu.memory_space<vmem>>[vector<16xi32>, vector<16xi32>], vector<16xf32>,
    tpu.vector_store_idx %arg12[%select_n3A_94, %select_n3A_57], %gather3A : memref<32x4xf32, #tpu.memory_space<vmem>>[vector<16xi32>, vector<16xi32>], vector<16xf32>,
    %add3A_95 = arith.constant 16 : i32
    %add3A_96 = vector.broadcast %add3A_95 : i32 to vector<16xi32>
    %add3A_97 = arith.addi %iota3A, %add3A_96 : vector<16xi32>
    %jit3A_98 = arith.constant 4 : i32
    %eq3A_99 = arith.constant 0 : i32
    %eq3A_100 = arith.cmpi eq, %jit3A_98, %eq3A_99 : i32
    %jit3A_101 = arith.constant 1 : i32
    %select_n3A_102 = arith.select %eq3A_100, %jit3A_101, %jit3A_98 : i32
    %rem3A_103 = vector.broadcast %select_n3A_102 : i32 to vector<16xi32>
    %rem3A_104 = arith.remsi %add3A_97, %rem3A_103 : vector<16xi32>
    %ne3A_105 = arith.constant 0 : i32
    %ne3A_106 = vector.broadcast %ne3A_105 : i32 to vector<16xi32>
    %ne3A_107 = arith.cmpi ne, %rem3A_104, %ne3A_106 : vector<16xi32>
    %lt3A_108 = arith.constant 0 : i32
    %lt3A_109 = vector.broadcast %lt3A_108 : i32 to vector<16xi32>
    %lt3A_110 = arith.cmpi slt, %rem3A_104, %lt3A_109 : vector<16xi32>
    %lt3A_111 = arith.constant 0 : i32
    %lt3A_112 = arith.cmpi slt, %select_n3A_102, %lt3A_111 : i32
    %ne3A_113 = vector.broadcast %lt3A_112 : i1 to vector<16xi1>
    %ne3A_114 = vector.broadcast %ne3A_113 : vector<16xi1> to vector<16xi1>
    %ne3A_115 = arith.xori %lt3A_110, %ne3A_114 : vector<16xi1>
    %and3A_116 = arith.andi %ne3A_115, %ne3A_107 : vector<16xi1>
    %add3A_117 = vector.broadcast %select_n3A_102 : i32 to vector<16xi32>
    %add3A_118 = arith.addi %rem3A_104, %add3A_117 : vector<16xi32>
    %select_n3A_119 = arith.select %and3A_116, %add3A_118, %rem3A_104 : vector<16xi1>, vector<16xi32>
    %mul3A_120 = arith.constant 2 : i32
    %mul3A_121 = vector.broadcast %mul3A_120 : i32 to vector<16xi32>
    %mul3A_122 = arith.muli %mul3A_121, %select_n3A_119 : vector<16xi32>
    %eq3A_123 = arith.constant 3 : i32
    %eq3A_124 = vector.broadcast %eq3A_123 : i32 to vector<16xi32>
    %eq3A_125 = arith.cmpi eq, %select_n3A_119, %eq3A_124 : vector<16xi32>
    %select_n3A_126 = arith.select %eq3A_125, %add3A_3, %sub3A : vector<16xi1>, vector<16xi32>
    %add3A_127 = arith.addi %mul3A_122, %select_n3A_126 : vector<16xi32>
    %jit3A_128 = arith.constant 4 : i32
    %div3A_129 = vector.broadcast %jit3A_128 : i32 to vector<16xi32>
    %div3A_130 = arith.divsi %add3A_97, %div3A_129 : vector<16xi32>
    %sign3A_131 = arith.constant 0 : i32
    %sign3A_132 = vector.broadcast %sign3A_131 : i32 to vector<16xi32>
    %sign3A_133 = arith.cmpi sgt, %add3A_97, %sign3A_132 : vector<16xi32>
    %sign3A_134 = arith.extui %sign3A_133 : vector<16xi1> to vector<16xi32>
    %sign3A_135 = arith.constant 0 : i32
    %sign3A_136 = vector.broadcast %sign3A_135 : i32 to vector<16xi32>
    %sign3A_137 = arith.cmpi slt, %add3A_97, %sign3A_136 : vector<16xi32>
    %sign3A_138 = arith.extui %sign3A_137 : vector<16xi1> to vector<16xi32>
    %sign3A_139 = arith.subi %sign3A_134, %sign3A_138 : vector<16xi32>
    %sign3A_140 = arith.constant 0 : i32
    %sign3A_141 = arith.cmpi sgt, %jit3A_128, %sign3A_140 : i32
    %sign3A_142 = arith.extui %sign3A_141 : i1 to i32
    %sign3A_143 = arith.constant 0 : i32
    %sign3A_144 = arith.cmpi slt, %jit3A_128, %sign3A_143 : i32
    %sign3A_145 = arith.extui %sign3A_144 : i1 to i32
    %sign3A_146 = arith.subi %sign3A_142, %sign3A_145 : i32
    %ne3A_147 = vector.broadcast %sign3A_146 : i32 to vector<16xi32>
    %ne3A_148 = arith.cmpi ne, %sign3A_139, %ne3A_147 : vector<16xi32>
    %rem3A_149 = vector.broadcast %jit3A_128 : i32 to vector<16xi32>
    %rem3A_150 = arith.remsi %add3A_97, %rem3A_149 : vector<16xi32>
    %ne3A_151 = arith.constant 0 : i32
    %ne3A_152 = vector.broadcast %ne3A_151 : i32 to vector<16xi32>
    %ne3A_153 = arith.cmpi ne, %rem3A_150, %ne3A_152 : vector<16xi32>
    %and3A_154 = arith.andi %ne3A_148, %ne3A_153 : vector<16xi1>
    %sub3A_155 = arith.constant 1 : i32
    %sub3A_156 = vector.broadcast %sub3A_155 : i32 to vector<16xi32>
    %sub3A_157 = arith.subi %div3A_130, %sub3A_156 : vector<16xi32>
    %select_n3A_158 = arith.select %and3A_154, %sub3A_157, %div3A_130 : vector<16xi1>, vector<16xi32>
    %gather3A_159 = tpu.vector_load_idx %arg11[%select_n3A_158, %add3A_127] : memref<32x19xf32, #tpu.memory_space<vmem>>[vector<16xi32>, vector<16xi32>], vector<16xf32>,
    tpu.vector_store_idx %arg12[%select_n3A_158, %select_n3A_119], %gather3A_159 : memref<32x4xf32, #tpu.memory_space<vmem>>[vector<16xi32>, vector<16xi32>], vector<16xf32>,
    %add3A_160 = arith.constant 32 : i32
    %add3A_161 = vector.broadcast %add3A_160 : i32 to vector<16xi32>
    %add3A_162 = arith.addi %iota3A, %add3A_161 : vector<16xi32>
    %jit3A_163 = arith.constant 4 : i32
    %eq3A_164 = arith.constant 0 : i32
    %eq3A_165 = arith.cmpi eq, %jit3A_163, %eq3A_164 : i32
    %jit3A_166 = arith.constant 1 : i32
    %select_n3A_167 = arith.select %eq3A_165, %jit3A_166, %jit3A_163 : i32
    %rem3A_168 = vector.broadcast %select_n3A_167 : i32 to vector<16xi32>
    %rem3A_169 = arith.remsi %add3A_162, %rem3A_168 : vector<16xi32>
    %ne3A_170 = arith.constant 0 : i32
    %ne3A_171 = vector.broadcast %ne3A_170 : i32 to vector<16xi32>
    %ne3A_172 = arith.cmpi ne, %rem3A_169, %ne3A_171 : vector<16xi32>
    %lt3A_173 = arith.constant 0 : i32
    %lt3A_174 = vector.broadcast %lt3A_173 : i32 to vector<16xi32>
    %lt3A_175 = arith.cmpi slt, %rem3A_169, %lt3A_174 : vector<16xi32>
    %lt3A_176 = arith.constant 0 : i32
    %lt3A_177 = arith.cmpi slt, %select_n3A_167, %lt3A_176 : i32
    %ne3A_178 = vector.broadcast %lt3A_177 : i1 to vector<16xi1>
    %ne3A_179 = vector.broadcast %ne3A_178 : vector<16xi1> to vector<16xi1>
    %ne3A_180 = arith.xori %lt3A_175, %ne3A_179 : vector<16xi1>
    %and3A_181 = arith.andi %ne3A_180, %ne3A_172 : vector<16xi1>
    %add3A_182 = vector.broadcast %select_n3A_167 : i32 to vector<16xi32>
    %add3A_183 = arith.addi %rem3A_169, %add3A_182 : vector<16xi32>
    %select_n3A_184 = arith.select %and3A_181, %add3A_183, %rem3A_169 : vector<16xi1>, vector<16xi32>
    %mul3A_185 = arith.constant 2 : i32
    %mul3A_186 = vector.broadcast %mul3A_185 : i32 to vector<16xi32>
    %mul3A_187 = arith.muli %mul3A_186, %select_n3A_184 : vector<16xi32>
    %eq3A_188 = arith.constant 3 : i32
    %eq3A_189 = vector.broadcast %eq3A_188 : i32 to vector<16xi32>
    %eq3A_190 = arith.cmpi eq, %select_n3A_184, %eq3A_189 : vector<16xi32>
    %select_n3A_191 = arith.select %eq3A_190, %add3A_3, %sub3A : vector<16xi1>, vector<16xi32>
    %add3A_192 = arith.addi %mul3A_187, %select_n3A_191 : vector<16xi32>
    %jit3A_193 = arith.constant 4 : i32
    %div3A_194 = vector.broadcast %jit3A_193 : i32 to vector<16xi32>
    %div3A_195 = arith.divsi %add3A_162, %div3A_194 : vector<16xi32>
    %sign3A_196 = arith.constant 0 : i32
    %sign3A_197 = vector.broadcast %sign3A_196 : i32 to vector<16xi32>
    %sign3A_198 = arith.cmpi sgt, %add3A_162, %sign3A_197 : vector<16xi32>
    %sign3A_199 = arith.extui %sign3A_198 : vector<16xi1> to vector<16xi32>
    %sign3A_200 = arith.constant 0 : i32
    %sign3A_201 = vector.broadcast %sign3A_200 : i32 to vector<16xi32>
    %sign3A_202 = arith.cmpi slt, %add3A_162, %sign3A_201 : vector<16xi32>
    %sign3A_203 = arith.extui %sign3A_202 : vector<16xi1> to vector<16xi32>
    %sign3A_204 = arith.subi %sign3A_199, %sign3A_203 : vector<16xi32>
    %sign3A_205 = arith.constant 0 : i32
    %sign3A_206 = arith.cmpi sgt, %jit3A_193, %sign3A_205 : i32
    %sign3A_207 = arith.extui %sign3A_206 : i1 to i32
    %sign3A_208 = arith.constant 0 : i32
    %sign3A_209 = arith.cmpi slt, %jit3A_193, %sign3A_208 : i32
    %sign3A_210 = arith.extui %sign3A_209 : i1 to i32
    %sign3A_211 = arith.subi %sign3A_207, %sign3A_210 : i32
    %ne3A_212 = vector.broadcast %sign3A_211 : i32 to vector<16xi32>
    %ne3A_213 = arith.cmpi ne, %sign3A_204, %ne3A_212 : vector<16xi32>
    %rem3A_214 = vector.broadcast %jit3A_193 : i32 to vector<16xi32>
    %rem3A_215 = arith.remsi %add3A_162, %rem3A_214 : vector<16xi32>
    %ne3A_216 = arith.constant 0 : i32
    %ne3A_217 = vector.broadcast %ne3A_216 : i32 to vector<16xi32>
    %ne3A_218 = arith.cmpi ne, %rem3A_215, %ne3A_217 : vector<16xi32>
    %and3A_219 = arith.andi %ne3A_213, %ne3A_218 : vector<16xi1>
    %sub3A_220 = arith.constant 1 : i32
    %sub3A_221 = vector.broadcast %sub3A_220 : i32 to vector<16xi32>
    %sub3A_222 = arith.subi %div3A_195, %sub3A_221 : vector<16xi32>
    %select_n3A_223 = arith.select %and3A_219, %sub3A_222, %div3A_195 : vector<16xi1>, vector<16xi32>
    %gather3A_224 = tpu.vector_load_idx %arg11[%select_n3A_223, %add3A_192] : memref<32x19xf32, #tpu.memory_space<vmem>>[vector<16xi32>, vector<16xi32>], vector<16xf32>,
    tpu.vector_store_idx %arg12[%select_n3A_223, %select_n3A_184], %gather3A_224 : memref<32x4xf32, #tpu.memory_space<vmem>>[vector<16xi32>, vector<16xi32>], vector<16xf32>,
    %add3A_225 = arith.constant 48 : i32
    %add3A_226 = vector.broadcast %add3A_225 : i32 to vector<16xi32>
    %add3A_227 = arith.addi %iota3A, %add3A_226 : vector<16xi32>
    %jit3A_228 = arith.constant 4 : i32
    %eq3A_229 = arith.constant 0 : i32
    %eq3A_230 = arith.cmpi eq, %jit3A_228, %eq3A_229 : i32
    %jit3A_231 = arith.constant 1 : i32
    %select_n3A_232 = arith.select %eq3A_230, %jit3A_231, %jit3A_228 : i32
    %rem3A_233 = vector.broadcast %select_n3A_232 : i32 to vector<16xi32>
    %rem3A_234 = arith.remsi %add3A_227, %rem3A_233 : vector<16xi32>
    %ne3A_235 = arith.constant 0 : i32
    %ne3A_236 = vector.broadcast %ne3A_235 : i32 to vector<16xi32>
    %ne3A_237 = arith.cmpi ne, %rem3A_234, %ne3A_236 : vector<16xi32>
    %lt3A_238 = arith.constant 0 : i32
    %lt3A_239 = vector.broadcast %lt3A_238 : i32 to vector<16xi32>
    %lt3A_240 = arith.cmpi slt, %rem3A_234, %lt3A_239 : vector<16xi32>
    %lt3A_241 = arith.constant 0 : i32
    %lt3A_242 = arith.cmpi slt, %select_n3A_232, %lt3A_241 : i32
    %ne3A_243 = vector.broadcast %lt3A_242 : i1 to vector<16xi1>
    %ne3A_244 = vector.broadcast %ne3A_243 : vector<16xi1> to vector<16xi1>
    %ne3A_245 = arith.xori %lt3A_240, %ne3A_244 : vector<16xi1>
    %and3A_246 = arith.andi %ne3A_245, %ne3A_237 : vector<16xi1>
    %add3A_247 = vector.broadcast %select_n3A_232 : i32 to vector<16xi32>
    %add3A_248 = arith.addi %rem3A_234, %add3A_247 : vector<16xi32>
    %select_n3A_249 = arith.select %and3A_246, %add3A_248, %rem3A_234 : vector<16xi1>, vector<16xi32>
    %mul3A_250 = arith.constant 2 : i32
    %mul3A_251 = vector.broadcast %mul3A_250 : i32 to vector<16xi32>
    %mul3A_252 = arith.muli %mul3A_251, %select_n3A_249 : vector<16xi32>
    %eq3A_253 = arith.constant 3 : i32
    %eq3A_254 = vector.broadcast %eq3A_253 : i32 to vector<16xi32>
    %eq3A_255 = arith.cmpi eq, %select_n3A_249, %eq3A_254 : vector<16xi32>
    %select_n3A_256 = arith.select %eq3A_255, %add3A_3, %sub3A : vector<16xi1>, vector<16xi32>
    %add3A_257 = arith.addi %mul3A_252, %select_n3A_256 : vector<16xi32>
    %jit3A_258 = arith.constant 4 : i32
    %div3A_259 = vector.broadcast %jit3A_258 : i32 to vector<16xi32>
    %div3A_260 = arith.divsi %add3A_227, %div3A_259 : vector<16xi32>
    %sign3A_261 = arith.constant 0 : i32
    %sign3A_262 = vector.broadcast %sign3A_261 : i32 to vector<16xi32>
    %sign3A_263 = arith.cmpi sgt, %add3A_227, %sign3A_262 : vector<16xi32>
    %sign3A_264 = arith.extui %sign3A_263 : vector<16xi1> to vector<16xi32>
    %sign3A_265 = arith.constant 0 : i32
    %sign3A_266 = vector.broadcast %sign3A_265 : i32 to vector<16xi32>
    %sign3A_267 = arith.cmpi slt, %add3A_227, %sign3A_266 : vector<16xi32>
    %sign3A_268 = arith.extui %sign3A_267 : vector<16xi1> to vector<16xi32>
    %sign3A_269 = arith.subi %sign3A_264, %sign3A_268 : vector<16xi32>
    %sign3A_270 = arith.constant 0 : i32
    %sign3A_271 = arith.cmpi sgt, %jit3A_258, %sign3A_270 : i32
    %sign3A_272 = arith.extui %sign3A_271 : i1 to i32
    %sign3A_273 = arith.constant 0 : i32
    %sign3A_274 = arith.cmpi slt, %jit3A_258, %sign3A_273 : i32
    %sign3A_275 = arith.extui %sign3A_274 : i1 to i32
    %sign3A_276 = arith.subi %sign3A_272, %sign3A_275 : i32
    %ne3A_277 = vector.broadcast %sign3A_276 : i32 to vector<16xi32>
    %ne3A_278 = arith.cmpi ne, %sign3A_269, %ne3A_277 : vector<16xi32>
    %rem3A_279 = vector.broadcast %jit3A_258 : i32 to vector<16xi32>
    %rem3A_280 = arith.remsi %add3A_227, %rem3A_279 : vector<16xi32>
    %ne3A_281 = arith.constant 0 : i32
    %ne3A_282 = vector.broadcast %ne3A_281 : i32 to vector<16xi32>
    %ne3A_283 = arith.cmpi ne, %rem3A_280, %ne3A_282 : vector<16xi32>
    %and3A_284 = arith.andi %ne3A_278, %ne3A_283 : vector<16xi1>
    %sub3A_285 = arith.constant 1 : i32
    %sub3A_286 = vector.broadcast %sub3A_285 : i32 to vector<16xi32>
    %sub3A_287 = arith.subi %div3A_260, %sub3A_286 : vector<16xi32>
    %select_n3A_288 = arith.select %and3A_284, %sub3A_287, %div3A_260 : vector<16xi1>, vector<16xi32>
    %gather3A_289 = tpu.vector_load_idx %arg11[%select_n3A_288, %add3A_257] : memref<32x19xf32, #tpu.memory_space<vmem>>[vector<16xi32>, vector<16xi32>], vector<16xf32>,
    tpu.vector_store_idx %arg12[%select_n3A_288, %select_n3A_249], %gather3A_289 : memref<32x4xf32, #tpu.memory_space<vmem>>[vector<16xi32>, vector<16xi32>], vector<16xf32>,
    %add3A_290 = arith.constant 64 : i32
    %add3A_291 = vector.broadcast %add3A_290 : i32 to vector<16xi32>
    %add3A_292 = arith.addi %iota3A, %add3A_291 : vector<16xi32>
    %jit3A_293 = arith.constant 4 : i32
    %eq3A_294 = arith.constant 0 : i32
    %eq3A_295 = arith.cmpi eq, %jit3A_293, %eq3A_294 : i32
    %jit3A_296 = arith.constant 1 : i32
    %select_n3A_297 = arith.select %eq3A_295, %jit3A_296, %jit3A_293 : i32
    %rem3A_298 = vector.broadcast %select_n3A_297 : i32 to vector<16xi32>
    %rem3A_299 = arith.remsi %add3A_292, %rem3A_298 : vector<16xi32>
    %ne3A_300 = arith.constant 0 : i32
    %ne3A_301 = vector.broadcast %ne3A_300 : i32 to vector<16xi32>
    %ne3A_302 = arith.cmpi ne, %rem3A_299, %ne3A_301 : vector<16xi32>
    %lt3A_303 = arith.constant 0 : i32
    %lt3A_304 = vector.broadcast %lt3A_303 : i32 to vector<16xi32>
    %lt3A_305 = arith.cmpi slt, %rem3A_299, %lt3A_304 : vector<16xi32>
    %lt3A_306 = arith.constant 0 : i32
    %lt3A_307 = arith.cmpi slt, %select_n3A_297, %lt3A_306 : i32
    %ne3A_308 = vector.broadcast %lt3A_307 : i1 to vector<16xi1>
    %ne3A_309 = vector.broadcast %ne3A_308 : vector<16xi1> to vector<16xi1>
    %ne3A_310 = arith.xori %lt3A_305, %ne3A_309 : vector<16xi1>
    %and3A_311 = arith.andi %ne3A_310, %ne3A_302 : vector<16xi1>
    %add3A_312 = vector.broadcast %select_n3A_297 : i32 to vector<16xi32>
    %add3A_313 = arith.addi %rem3A_299, %add3A_312 : vector<16xi32>
    %select_n3A_314 = arith.select %and3A_311, %add3A_313, %rem3A_299 : vector<16xi1>, vector<16xi32>
    %mul3A_315 = arith.constant 2 : i32
    %mul3A_316 = vector.broadcast %mul3A_315 : i32 to vector<16xi32>
    %mul3A_317 = arith.muli %mul3A_316, %select_n3A_314 : vector<16xi32>
    %eq3A_318 = arith.constant 3 : i32
    %eq3A_319 = vector.broadcast %eq3A_318 : i32 to vector<16xi32>
    %eq3A_320 = arith.cmpi eq, %select_n3A_314, %eq3A_319 : vector<16xi32>
    %select_n3A_321 = arith.select %eq3A_320, %add3A_3, %sub3A : vector<16xi1>, vector<16xi32>
    %add3A_322 = arith.addi %mul3A_317, %select_n3A_321 : vector<16xi32>
    %jit3A_323 = arith.constant 4 : i32
    %div3A_324 = vector.broadcast %jit3A_323 : i32 to vector<16xi32>
    %div3A_325 = arith.divsi %add3A_292, %div3A_324 : vector<16xi32>
    %sign3A_326 = arith.constant 0 : i32
    %sign3A_327 = vector.broadcast %sign3A_326 : i32 to vector<16xi32>
    %sign3A_328 = arith.cmpi sgt, %add3A_292, %sign3A_327 : vector<16xi32>
    %sign3A_329 = arith.extui %sign3A_328 : vector<16xi1> to vector<16xi32>
    %sign3A_330 = arith.constant 0 : i32
    %sign3A_331 = vector.broadcast %sign3A_330 : i32 to vector<16xi32>
    %sign3A_332 = arith.cmpi slt, %add3A_292, %sign3A_331 : vector<16xi32>
    %sign3A_333 = arith.extui %sign3A_332 : vector<16xi1> to vector<16xi32>
    %sign3A_334 = arith.subi %sign3A_329, %sign3A_333 : vector<16xi32>
    %sign3A_335 = arith.constant 0 : i32
    %sign3A_336 = arith.cmpi sgt, %jit3A_323, %sign3A_335 : i32
    %sign3A_337 = arith.extui %sign3A_336 : i1 to i32
    %sign3A_338 = arith.constant 0 : i32
    %sign3A_339 = arith.cmpi slt, %jit3A_323, %sign3A_338 : i32
    %sign3A_340 = arith.extui %sign3A_339 : i1 to i32
    %sign3A_341 = arith.subi %sign3A_337, %sign3A_340 : i32
    %ne3A_342 = vector.broadcast %sign3A_341 : i32 to vector<16xi32>
    %ne3A_343 = arith.cmpi ne, %sign3A_334, %ne3A_342 : vector<16xi32>
    %rem3A_344 = vector.broadcast %jit3A_323 : i32 to vector<16xi32>
    %rem3A_345 = arith.remsi %add3A_292, %rem3A_344 : vector<16xi32>
    %ne3A_346 = arith.constant 0 : i32
    %ne3A_347 = vector.broadcast %ne3A_346 : i32 to vector<16xi32>
    %ne3A_348 = arith.cmpi ne, %rem3A_345, %ne3A_347 : vector<16xi32>
    %and3A_349 = arith.andi %ne3A_343, %ne3A_348 : vector<16xi1>
    %sub3A_350 = arith.constant 1 : i32
    %sub3A_351 = vector.broadcast %sub3A_350 : i32 to vector<16xi32>
    %sub3A_352 = arith.subi %div3A_325, %sub3A_351 : vector<16xi32>
    %select_n3A_353 = arith.select %and3A_349, %sub3A_352, %div3A_325 : vector<16xi1>, vector<16xi32>
    %gather3A_354 = tpu.vector_load_idx %arg11[%select_n3A_353, %add3A_322] : memref<32x19xf32, #tpu.memory_space<vmem>>[vector<16xi32>, vector<16xi32>], vector<16xf32>,
    tpu.vector_store_idx %arg12[%select_n3A_353, %select_n3A_314], %gather3A_354 : memref<32x4xf32, #tpu.memory_space<vmem>>[vector<16xi32>, vector<16xi32>], vector<16xf32>,
    %add3A_355 = arith.constant 80 : i32
    %add3A_356 = vector.broadcast %add3A_355 : i32 to vector<16xi32>
    %add3A_357 = arith.addi %iota3A, %add3A_356 : vector<16xi32>
    %jit3A_358 = arith.constant 4 : i32
    %eq3A_359 = arith.constant 0 : i32
    %eq3A_360 = arith.cmpi eq, %jit3A_358, %eq3A_359 : i32
    %jit3A_361 = arith.constant 1 : i32
    %select_n3A_362 = arith.select %eq3A_360, %jit3A_361, %jit3A_358 : i32
    %rem3A_363 = vector.broadcast %select_n3A_362 : i32 to vector<16xi32>
    %rem3A_364 = arith.remsi %add3A_357, %rem3A_363 : vector<16xi32>
    %ne3A_365 = arith.constant 0 : i32
    %ne3A_366 = vector.broadcast %ne3A_365 : i32 to vector<16xi32>
    %ne3A_367 = arith.cmpi ne, %rem3A_364, %ne3A_366 : vector<16xi32>
    %lt3A_368 = arith.constant 0 : i32
    %lt3A_369 = vector.broadcast %lt3A_368 : i32 to vector<16xi32>
    %lt3A_370 = arith.cmpi slt, %rem3A_364, %lt3A_369 : vector<16xi32>
    %lt3A_371 = arith.constant 0 : i32
    %lt3A_372 = arith.cmpi slt, %select_n3A_362, %lt3A_371 : i32
    %ne3A_373 = vector.broadcast %lt3A_372 : i1 to vector<16xi1>
    %ne3A_374 = vector.broadcast %ne3A_373 : vector<16xi1> to vector<16xi1>
    %ne3A_375 = arith.xori %lt3A_370, %ne3A_374 : vector<16xi1>
    %and3A_376 = arith.andi %ne3A_375, %ne3A_367 : vector<16xi1>
    %add3A_377 = vector.broadcast %select_n3A_362 : i32 to vector<16xi32>
    %add3A_378 = arith.addi %rem3A_364, %add3A_377 : vector<16xi32>
    %select_n3A_379 = arith.select %and3A_376, %add3A_378, %rem3A_364 : vector<16xi1>, vector<16xi32>
    %mul3A_380 = arith.constant 2 : i32
    %mul3A_381 = vector.broadcast %mul3A_380 : i32 to vector<16xi32>
    %mul3A_382 = arith.muli %mul3A_381, %select_n3A_379 : vector<16xi32>
    %eq3A_383 = arith.constant 3 : i32
    %eq3A_384 = vector.broadcast %eq3A_383 : i32 to vector<16xi32>
    %eq3A_385 = arith.cmpi eq, %select_n3A_379, %eq3A_384 : vector<16xi32>
    %select_n3A_386 = arith.select %eq3A_385, %add3A_3, %sub3A : vector<16xi1>, vector<16xi32>
    %add3A_387 = arith.addi %mul3A_382, %select_n3A_386 : vector<16xi32>
    %jit3A_388 = arith.constant 4 : i32
    %div3A_389 = vector.broadcast %jit3A_388 : i32 to vector<16xi32>
    %div3A_390 = arith.divsi %add3A_357, %div3A_389 : vector<16xi32>
    %sign3A_391 = arith.constant 0 : i32
    %sign3A_392 = vector.broadcast %sign3A_391 : i32 to vector<16xi32>
    %sign3A_393 = arith.cmpi sgt, %add3A_357, %sign3A_392 : vector<16xi32>
    %sign3A_394 = arith.extui %sign3A_393 : vector<16xi1> to vector<16xi32>
    %sign3A_395 = arith.constant 0 : i32
    %sign3A_396 = vector.broadcast %sign3A_395 : i32 to vector<16xi32>
    %sign3A_397 = arith.cmpi slt, %add3A_357, %sign3A_396 : vector<16xi32>
    %sign3A_398 = arith.extui %sign3A_397 : vector<16xi1> to vector<16xi32>
    %sign3A_399 = arith.subi %sign3A_394, %sign3A_398 : vector<16xi32>
    %sign3A_400 = arith.constant 0 : i32
    %sign3A_401 = arith.cmpi sgt, %jit3A_388, %sign3A_400 : i32
    %sign3A_402 = arith.extui %sign3A_401 : i1 to i32
    %sign3A_403 = arith.constant 0 : i32
    %sign3A_404 = arith.cmpi slt, %jit3A_388, %sign3A_403 : i32
    %sign3A_405 = arith.extui %sign3A_404 : i1 to i32
    %sign3A_406 = arith.subi %sign3A_402, %sign3A_405 : i32
    %ne3A_407 = vector.broadcast %sign3A_406 : i32 to vector<16xi32>
    %ne3A_408 = arith.cmpi ne, %sign3A_399, %ne3A_407 : vector<16xi32>
    %rem3A_409 = vector.broadcast %jit3A_388 : i32 to vector<16xi32>
    %rem3A_410 = arith.remsi %add3A_357, %rem3A_409 : vector<16xi32>
    %ne3A_411 = arith.constant 0 : i32
    %ne3A_412 = vector.broadcast %ne3A_411 : i32 to vector<16xi32>
    %ne3A_413 = arith.cmpi ne, %rem3A_410, %ne3A_412 : vector<16xi32>
    %and3A_414 = arith.andi %ne3A_408, %ne3A_413 : vector<16xi1>
    %sub3A_415 = arith.constant 1 : i32
    %sub3A_416 = vector.broadcast %sub3A_415 : i32 to vector<16xi32>
    %sub3A_417 = arith.subi %div3A_390, %sub3A_416 : vector<16xi32>
    %select_n3A_418 = arith.select %and3A_414, %sub3A_417, %div3A_390 : vector<16xi1>, vector<16xi32>
    %gather3A_419 = tpu.vector_load_idx %arg11[%select_n3A_418, %add3A_387] : memref<32x19xf32, #tpu.memory_space<vmem>>[vector<16xi32>, vector<16xi32>], vector<16xf32>,
    tpu.vector_store_idx %arg12[%select_n3A_418, %select_n3A_379], %gather3A_419 : memref<32x4xf32, #tpu.memory_space<vmem>>[vector<16xi32>, vector<16xi32>], vector<16xf32>,
    %add3A_420 = arith.constant 96 : i32
    %add3A_421 = vector.broadcast %add3A_420 : i32 to vector<16xi32>
    %add3A_422 = arith.addi %iota3A, %add3A_421 : vector<16xi32>
    %jit3A_423 = arith.constant 4 : i32
    %eq3A_424 = arith.constant 0 : i32
    %eq3A_425 = arith.cmpi eq, %jit3A_423, %eq3A_424 : i32
    %jit3A_426 = arith.constant 1 : i32
    %select_n3A_427 = arith.select %eq3A_425, %jit3A_426, %jit3A_423 : i32
    %rem3A_428 = vector.broadcast %select_n3A_427 : i32 to vector<16xi32>
    %rem3A_429 = arith.remsi %add3A_422, %rem3A_428 : vector<16xi32>
    %ne3A_430 = arith.constant 0 : i32
    %ne3A_431 = vector.broadcast %ne3A_430 : i32 to vector<16xi32>
    %ne3A_432 = arith.cmpi ne, %rem3A_429, %ne3A_431 : vector<16xi32>
    %lt3A_433 = arith.constant 0 : i32
    %lt3A_434 = vector.broadcast %lt3A_433 : i32 to vector<16xi32>
    %lt3A_435 = arith.cmpi slt, %rem3A_429, %lt3A_434 : vector<16xi32>
    %lt3A_436 = arith.constant 0 : i32
    %lt3A_437 = arith.cmpi slt, %select_n3A_427, %lt3A_436 : i32
    %ne3A_438 = vector.broadcast %lt3A_437 : i1 to vector<16xi1>
    %ne3A_439 = vector.broadcast %ne3A_438 : vector<16xi1> to vector<16xi1>
    %ne3A_440 = arith.xori %lt3A_435, %ne3A_439 : vector<16xi1>
    %and3A_441 = arith.andi %ne3A_440, %ne3A_432 : vector<16xi1>
    %add3A_442 = vector.broadcast %select_n3A_427 : i32 to vector<16xi32>
    %add3A_443 = arith.addi %rem3A_429, %add3A_442 : vector<16xi32>
    %select_n3A_444 = arith.select %and3A_441, %add3A_443, %rem3A_429 : vector<16xi1>, vector<16xi32>
    %mul3A_445 = arith.constant 2 : i32
    %mul3A_446 = vector.broadcast %mul3A_445 : i32 to vector<16xi32>
    %mul3A_447 = arith.muli %mul3A_446, %select_n3A_444 : vector<16xi32>
    %eq3A_448 = arith.constant 3 : i32
    %eq3A_449 = vector.broadcast %eq3A_448 : i32 to vector<16xi32>
    %eq3A_450 = arith.cmpi eq, %select_n3A_444, %eq3A_449 : vector<16xi32>
    %select_n3A_451 = arith.select %eq3A_450, %add3A_3, %sub3A : vector<16xi1>, vector<16xi32>
    %add3A_452 = arith.addi %mul3A_447, %select_n3A_451 : vector<16xi32>
    %jit3A_453 = arith.constant 4 : i32
    %div3A_454 = vector.broadcast %jit3A_453 : i32 to vector<16xi32>
    %div3A_455 = arith.divsi %add3A_422, %div3A_454 : vector<16xi32>
    %sign3A_456 = arith.constant 0 : i32
    %sign3A_457 = vector.broadcast %sign3A_456 : i32 to vector<16xi32>
    %sign3A_458 = arith.cmpi sgt, %add3A_422, %sign3A_457 : vector<16xi32>
    %sign3A_459 = arith.extui %sign3A_458 : vector<16xi1> to vector<16xi32>
    %sign3A_460 = arith.constant 0 : i32
    %sign3A_461 = vector.broadcast %sign3A_460 : i32 to vector<16xi32>
    %sign3A_462 = arith.cmpi slt, %add3A_422, %sign3A_461 : vector<16xi32>
    %sign3A_463 = arith.extui %sign3A_462 : vector<16xi1> to vector<16xi32>
    %sign3A_464 = arith.subi %sign3A_459, %sign3A_463 : vector<16xi32>
    %sign3A_465 = arith.constant 0 : i32
    %sign3A_466 = arith.cmpi sgt, %jit3A_453, %sign3A_465 : i32
    %sign3A_467 = arith.extui %sign3A_466 : i1 to i32
    %sign3A_468 = arith.constant 0 : i32
    %sign3A_469 = arith.cmpi slt, %jit3A_453, %sign3A_468 : i32
    %sign3A_470 = arith.extui %sign3A_469 : i1 to i32
    %sign3A_471 = arith.subi %sign3A_467, %sign3A_470 : i32
    %ne3A_472 = vector.broadcast %sign3A_471 : i32 to vector<16xi32>
    %ne3A_473 = arith.cmpi ne, %sign3A_464, %ne3A_472 : vector<16xi32>
    %rem3A_474 = vector.broadcast %jit3A_453 : i32 to vector<16xi32>
    %rem3A_475 = arith.remsi %add3A_422, %rem3A_474 : vector<16xi32>
    %ne3A_476 = arith.constant 0 : i32
    %ne3A_477 = vector.broadcast %ne3A_476 : i32 to vector<16xi32>
    %ne3A_478 = arith.cmpi ne, %rem3A_475, %ne3A_477 : vector<16xi32>
    %and3A_479 = arith.andi %ne3A_473, %ne3A_478 : vector<16xi1>
    %sub3A_480 = arith.constant 1 : i32
    %sub3A_481 = vector.broadcast %sub3A_480 : i32 to vector<16xi32>
    %sub3A_482 = arith.subi %div3A_455, %sub3A_481 : vector<16xi32>
    %select_n3A_483 = arith.select %and3A_479, %sub3A_482, %div3A_455 : vector<16xi1>, vector<16xi32>
    %gather3A_484 = tpu.vector_load_idx %arg11[%select_n3A_483, %add3A_452] : memref<32x19xf32, #tpu.memory_space<vmem>>[vector<16xi32>, vector<16xi32>], vector<16xf32>,
    tpu.vector_store_idx %arg12[%select_n3A_483, %select_n3A_444], %gather3A_484 : memref<32x4xf32, #tpu.memory_space<vmem>>[vector<16xi32>, vector<16xi32>], vector<16xf32>,
    %add3A_485 = arith.constant 112 : i32
    %add3A_486 = vector.broadcast %add3A_485 : i32 to vector<16xi32>
    %add3A_487 = arith.addi %iota3A, %add3A_486 : vector<16xi32>
    %jit3A_488 = arith.constant 4 : i32
    %eq3A_489 = arith.constant 0 : i32
    %eq3A_490 = arith.cmpi eq, %jit3A_488, %eq3A_489 : i32
    %jit3A_491 = arith.constant 1 : i32
    %select_n3A_492 = arith.select %eq3A_490, %jit3A_491, %jit3A_488 : i32
    %rem3A_493 = vector.broadcast %select_n3A_492 : i32 to vector<16xi32>
    %rem3A_494 = arith.remsi %add3A_487, %rem3A_493 : vector<16xi32>
    %ne3A_495 = arith.constant 0 : i32
    %ne3A_496 = vector.broadcast %ne3A_495 : i32 to vector<16xi32>
    %ne3A_497 = arith.cmpi ne, %rem3A_494, %ne3A_496 : vector<16xi32>
    %lt3A_498 = arith.constant 0 : i32
    %lt3A_499 = vector.broadcast %lt3A_498 : i32 to vector<16xi32>
    %lt3A_500 = arith.cmpi slt, %rem3A_494, %lt3A_499 : vector<16xi32>
    %lt3A_501 = arith.constant 0 : i32
    %lt3A_502 = arith.cmpi slt, %select_n3A_492, %lt3A_501 : i32
    %ne3A_503 = vector.broadcast %lt3A_502 : i1 to vector<16xi1>
    %ne3A_504 = vector.broadcast %ne3A_503 : vector<16xi1> to vector<16xi1>
    %ne3A_505 = arith.xori %lt3A_500, %ne3A_504 : vector<16xi1>
    %and3A_506 = arith.andi %ne3A_505, %ne3A_497 : vector<16xi1>
    %add3A_507 = vector.broadcast %select_n3A_492 : i32 to vector<16xi32>
    %add3A_508 = arith.addi %rem3A_494, %add3A_507 : vector<16xi32>
    %select_n3A_509 = arith.select %and3A_506, %add3A_508, %rem3A_494 : vector<16xi1>, vector<16xi32>
    %mul3A_510 = arith.constant 2 : i32
    %mul3A_511 = vector.broadcast %mul3A_510 : i32 to vector<16xi32>
    %mul3A_512 = arith.muli %mul3A_511, %select_n3A_509 : vector<16xi32>
    %eq3A_513 = arith.constant 3 : i32
    %eq3A_514 = vector.broadcast %eq3A_513 : i32 to vector<16xi32>
    %eq3A_515 = arith.cmpi eq, %select_n3A_509, %eq3A_514 : vector<16xi32>
    %select_n3A_516 = arith.select %eq3A_515, %add3A_3, %sub3A : vector<16xi1>, vector<16xi32>
    %add3A_517 = arith.addi %mul3A_512, %select_n3A_516 : vector<16xi32>
    %jit3A_518 = arith.constant 4 : i32
    %div3A_519 = vector.broadcast %jit3A_518 : i32 to vector<16xi32>
    %div3A_520 = arith.divsi %add3A_487, %div3A_519 : vector<16xi32>
    %sign3A_521 = arith.constant 0 : i32
    %sign3A_522 = vector.broadcast %sign3A_521 : i32 to vector<16xi32>
    %sign3A_523 = arith.cmpi sgt, %add3A_487, %sign3A_522 : vector<16xi32>
    %sign3A_524 = arith.extui %sign3A_523 : vector<16xi1> to vector<16xi32>
    %sign3A_525 = arith.constant 0 : i32
    %sign3A_526 = vector.broadcast %sign3A_525 : i32 to vector<16xi32>
    %sign3A_527 = arith.cmpi slt, %add3A_487, %sign3A_526 : vector<16xi32>
    %sign3A_528 = arith.extui %sign3A_527 : vector<16xi1> to vector<16xi32>
    %sign3A_529 = arith.subi %sign3A_524, %sign3A_528 : vector<16xi32>
    %sign3A_530 = arith.constant 0 : i32
    %sign3A_531 = arith.cmpi sgt, %jit3A_518, %sign3A_530 : i32
    %sign3A_532 = arith.extui %sign3A_531 : i1 to i32
    %sign3A_533 = arith.constant 0 : i32
    %sign3A_534 = arith.cmpi slt, %jit3A_518, %sign3A_533 : i32
    %sign3A_535 = arith.extui %sign3A_534 : i1 to i32
    %sign3A_536 = arith.subi %sign3A_532, %sign3A_535 : i32
    %ne3A_537 = vector.broadcast %sign3A_536 : i32 to vector<16xi32>
    %ne3A_538 = arith.cmpi ne, %sign3A_529, %ne3A_537 : vector<16xi32>
    %rem3A_539 = vector.broadcast %jit3A_518 : i32 to vector<16xi32>
    %rem3A_540 = arith.remsi %add3A_487, %rem3A_539 : vector<16xi32>
    %ne3A_541 = arith.constant 0 : i32
    %ne3A_542 = vector.broadcast %ne3A_541 : i32 to vector<16xi32>
    %ne3A_543 = arith.cmpi ne, %rem3A_540, %ne3A_542 : vector<16xi32>
    %and3A_544 = arith.andi %ne3A_538, %ne3A_543 : vector<16xi1>
    %sub3A_545 = arith.constant 1 : i32
    %sub3A_546 = vector.broadcast %sub3A_545 : i32 to vector<16xi32>
    %sub3A_547 = arith.subi %div3A_520, %sub3A_546 : vector<16xi32>
    %select_n3A_548 = arith.select %and3A_544, %sub3A_547, %div3A_520 : vector<16xi1>, vector<16xi32>
    %gather3A_549 = tpu.vector_load_idx %arg11[%select_n3A_548, %add3A_517] : memref<32x19xf32, #tpu.memory_space<vmem>>[vector<16xi32>, vector<16xi32>], vector<16xf32>,
    tpu.vector_store_idx %arg12[%select_n3A_548, %select_n3A_509], %gather3A_549 : memref<32x4xf32, #tpu.memory_space<vmem>>[vector<16xi32>, vector<16xi32>], vector<16xf32>,
    %mul3A_550 = arith.constant 32 : i32
    %mul3A_551 = arith.muli %add3A, %mul3A_550 : i32
    "tpu.region"() ({
      %run_scoped3A = tpu.sem_alloc : memref<!tpu.dma_semaphore, #tpu.memory_space<semaphore_mem>>
      %dma_start3A_567 = arith.constant 0 : i32
      %dma_start3A_568 = tpu.memref_slice %arg5[%mul3A_551, %dma_start3A_567] : memref<1024x4xf32, #tpu.memory_space<hbm>> -> memref<32x4xf32, #tpu.memory_space<hbm>>
      %dma_start3A_569 = arith.constant 0 : i32
      %dma_start3A_570 = tpu.memref_slice %arg5[%mul3A_551, %dma_start3A_569] : memref<1024x4xf32, #tpu.memory_space<hbm>> -> memref<32x4xf32, #tpu.memory_space<hbm>>
      tpu.enqueue_dma source(%arg12 : memref<32x4xf32, #tpu.memory_space<vmem>>) target(%dma_start3A_570 : memref<32x4xf32, #tpu.memory_space<hbm>>) target_semaphore(%run_scoped3A : memref<!tpu.dma_semaphore, #tpu.memory_space<semaphore_mem>>)
      %dma_wait3A_571 = arith.constant 0 : i32
      %dma_wait3A_572 = tpu.memref_slice %arg5[%mul3A_551, %dma_wait3A_571] : memref<1024x4xf32, #tpu.memory_space<hbm>> -> memref<32x4xf32, #tpu.memory_space<hbm>>
      %dma_wait3A_573 = arith.constant 0 : i32
      %dma_wait3A_574 = tpu.memref_slice %arg5[%mul3A_551, %dma_wait3A_573] : memref<1024x4xf32, #tpu.memory_space<hbm>> -> memref<32x4xf32, #tpu.memory_space<hbm>>
      tpu.wait_dma2 semaphore(%run_scoped3A : memref<!tpu.dma_semaphore, #tpu.memory_space<semaphore_mem>>) src(%arg12 : memref<32x4xf32, #tpu.memory_space<vmem>>) dst(%dma_wait3A_574 : memref<32x4xf32, #tpu.memory_space<hbm>>)
      tpu.yield
    }) : () -> ()
    %eq3A_552 = arith.constant 0 : i32
    %eq3A_553 = arith.cmpi eq, %arg0, %eq3A_552 : i32
    %convert_element_type3A_554 = arith.extui %eq3A_553 : i1 to i32
    %cond3A_555 = arith.constant 0 : i32
    %cond3A_556 = arith.cmpi ne, %convert_element_type3A_554, %cond3A_555 : i32
    scf.if %cond3A_556 {
      %scan3A_567 = arith.constant 0 : i32
      %scan3A_568 = arith.constant 35 : i32
      %scan3A_569 = arith.addi %scan3A_567, %scan3A_568 : i32
      %scan3A_570 = arith.constant 1 : i32
      %scan3A_571:3 = scf.for %scan3A_749 = %scan3A_567 to %scan3A_569 step %scan3A_570 iter_args(%scan3A_750 = %convert_element_type3A, %scan3A_751 = %convert_element_type3A, %scan3A_752 = %convert_element_type3A) -> (vector<16xf32>, vector<16xf32>, vector<16xf32>)  : i32 {
        %dma_wait3A_753 = arith.constant 0 : i32
        %dma_wait3A_754 = arith.constant 0 : i32
        %dma_wait3A_755 = tpu.memref_slice %arg4[%dma_wait3A_753, %dma_wait3A_754] : memref<100000x3xf32, #tpu.memory_space<hbm>> -> memref<176x3xf32, #tpu.memory_space<hbm>>
        %dma_wait3A_756 = arith.constant 0 : i32
        %dma_wait3A_757 = arith.constant 0 : i32
        %dma_wait3A_758 = tpu.memref_slice %arg4[%dma_wait3A_756, %dma_wait3A_757] : memref<100000x3xf32, #tpu.memory_space<hbm>> -> memref<176x3xf32, #tpu.memory_space<hbm>>
        tpu.wait_dma2 semaphore(%arg21 : memref<!tpu.dma_semaphore, #tpu.memory_space<semaphore_mem>>) src(%dma_wait3A_758 : memref<176x3xf32, #tpu.memory_space<hbm>>) dst(%arg13 : memref<176x3xf32, #tpu.memory_space<vmem>>)
        %scan3A_759 = arith.constant 0 : i32
        %scan3A_760 = arith.constant 8 : i32
        %scan3A_761 = arith.addi %scan3A_759, %scan3A_760 : i32
        %scan3A_762 = arith.constant 4 : i32
        %scan3A_763:3 = scf.for %scan3A_815 = %scan3A_759 to %scan3A_761 step %scan3A_762 iter_args(%scan3A_816 = %scan3A_750, %scan3A_817 = %scan3A_751, %scan3A_818 = %scan3A_752) -> (vector<16xf32>, vector<16xf32>, vector<16xf32>)  : i32 {
          %mul3A_819 = arith.constant 16 : i32
          %mul3A_820 = arith.muli %scan3A_815, %mul3A_819 : i32
          %add3A_821 = vector.broadcast %mul3A_820 : i32 to vector<16xi32>
          %add3A_822 = arith.addi %iota3A, %add3A_821 : vector<16xi32>
          %gather3A_823 = tpu.vector_load_idx %arg13[%add3A_822, %sub3A] : memref<176x3xf32, #tpu.memory_space<vmem>>[vector<16xi32>, vector<16xi32>], vector<16xf32>,
          %add3A_824 = arith.addf %scan3A_816, %gather3A_823 : vector<16xf32>
          %gather3A_825 = tpu.vector_load_idx %arg13[%add3A_822, %add3A_3] : memref<176x3xf32, #tpu.memory_space<vmem>>[vector<16xi32>, vector<16xi32>], vector<16xf32>,
          %add3A_826 = arith.addf %scan3A_817, %gather3A_825 : vector<16xf32>
          %add3A_827 = arith.constant 1 : i32
          %add3A_828 = vector.broadcast %add3A_827 : i32 to vector<16xi32>
          %add3A_829 = arith.addi %add3A_3, %add3A_828 : vector<16xi32>
          %gather3A_830 = tpu.vector_load_idx %arg13[%add3A_822, %add3A_829] : memref<176x3xf32, #tpu.memory_space<vmem>>[vector<16xi32>, vector<16xi32>], vector<16xf32>,
          %add3A_831 = arith.addf %scan3A_818, %gather3A_830 : vector<16xf32>
          %scan3A_832 = arith.constant 1 : i32
          %scan3A_833 = arith.addi %scan3A_815, %scan3A_832 : i32
          %mul3A_834 = arith.constant 16 : i32
          %mul3A_835 = arith.muli %scan3A_833, %mul3A_834 : i32
          %add3A_836 = vector.broadcast %mul3A_835 : i32 to vector<16xi32>
          %add3A_837 = arith.addi %iota3A, %add3A_836 : vector<16xi32>
          %gather3A_838 = tpu.vector_load_idx %arg13[%add3A_837, %sub3A] : memref<176x3xf32, #tpu.memory_space<vmem>>[vector<16xi32>, vector<16xi32>], vector<16xf32>,
          %add3A_839 = arith.addf %add3A_824, %gather3A_838 : vector<16xf32>
          %gather3A_840 = tpu.vector_load_idx %arg13[%add3A_837, %add3A_3] : memref<176x3xf32, #tpu.memory_space<vmem>>[vector<16xi32>, vector<16xi32>], vector<16xf32>,
          %add3A_841 = arith.addf %add3A_826, %gather3A_840 : vector<16xf32>
          %add3A_842 = arith.constant 1 : i32
          %add3A_843 = vector.broadcast %add3A_842 : i32 to vector<16xi32>
          %add3A_844 = arith.addi %add3A_3, %add3A_843 : vector<16xi32>
          %gather3A_845 = tpu.vector_load_idx %arg13[%add3A_837, %add3A_844] : memref<176x3xf32, #tpu.memory_space<vmem>>[vector<16xi32>, vector<16xi32>], vector<16xf32>,
          %add3A_846 = arith.addf %add3A_831, %gather3A_845 : vector<16xf32>
          %scan3A_847 = arith.constant 2 : i32
          %scan3A_848 = arith.addi %scan3A_815, %scan3A_847 : i32
          %mul3A_849 = arith.constant 16 : i32
          %mul3A_850 = arith.muli %scan3A_848, %mul3A_849 : i32
          %add3A_851 = vector.broadcast %mul3A_850 : i32 to vector<16xi32>
          %add3A_852 = arith.addi %iota3A, %add3A_851 : vector<16xi32>
          %gather3A_853 = tpu.vector_load_idx %arg13[%add3A_852, %sub3A] : memref<176x3xf32, #tpu.memory_space<vmem>>[vector<16xi32>, vector<16xi32>], vector<16xf32>,
          %add3A_854 = arith.addf %add3A_839, %gather3A_853 : vector<16xf32>
          %gather3A_855 = tpu.vector_load_idx %arg13[%add3A_852, %add3A_3] : memref<176x3xf32, #tpu.memory_space<vmem>>[vector<16xi32>, vector<16xi32>], vector<16xf32>,
          %add3A_856 = arith.addf %add3A_841, %gather3A_855 : vector<16xf32>
          %add3A_857 = arith.constant 1 : i32
          %add3A_858 = vector.broadcast %add3A_857 : i32 to vector<16xi32>
          %add3A_859 = arith.addi %add3A_3, %add3A_858 : vector<16xi32>
          %gather3A_860 = tpu.vector_load_idx %arg13[%add3A_852, %add3A_859] : memref<176x3xf32, #tpu.memory_space<vmem>>[vector<16xi32>, vector<16xi32>], vector<16xf32>,
          %add3A_861 = arith.addf %add3A_846, %gather3A_860 : vector<16xf32>
          %scan3A_862 = arith.constant 3 : i32
          %scan3A_863 = arith.addi %scan3A_815, %scan3A_862 : i32
          %mul3A_864 = arith.constant 16 : i32
          %mul3A_865 = arith.muli %scan3A_863, %mul3A_864 : i32
          %add3A_866 = vector.broadcast %mul3A_865 : i32 to vector<16xi32>
          %add3A_867 = arith.addi %iota3A, %add3A_866 : vector<16xi32>
          %gather3A_868 = tpu.vector_load_idx %arg13[%add3A_867, %sub3A] : memref<176x3xf32, #tpu.memory_space<vmem>>[vector<16xi32>, vector<16xi32>], vector<16xf32>,
          %add3A_869 = arith.addf %add3A_854, %gather3A_868 : vector<16xf32>
          %gather3A_870 = tpu.vector_load_idx %arg13[%add3A_867, %add3A_3] : memref<176x3xf32, #tpu.memory_space<vmem>>[vector<16xi32>, vector<16xi32>], vector<16xf32>,
          %add3A_871 = arith.addf %add3A_856, %gather3A_870 : vector<16xf32>
          %add3A_872 = arith.constant 1 : i32
          %add3A_873 = vector.broadcast %add3A_872 : i32 to vector<16xi32>
          %add3A_874 = arith.addi %add3A_3, %add3A_873 : vector<16xi32>
          %gather3A_875 = tpu.vector_load_idx %arg13[%add3A_867, %add3A_874] : memref<176x3xf32, #tpu.memory_space<vmem>>[vector<16xi32>, vector<16xi32>], vector<16xf32>,
          %add3A_876 = arith.addf %add3A_861, %gather3A_875 : vector<16xf32>
          scf.yield %add3A_869, %add3A_871, %add3A_876 : vector<16xf32>, vector<16xf32>, vector<16xf32>
        }
        %scan3A_764 = arith.constant 8 : i32
        %scan3A_765 = arith.addi %scan3A_759, %scan3A_764 : i32
        %mul3A_766 = arith.constant 16 : i32
        %mul3A_767 = arith.muli %scan3A_765, %mul3A_766 : i32
        %add3A_768 = vector.broadcast %mul3A_767 : i32 to vector<16xi32>
        %add3A_769 = arith.addi %iota3A, %add3A_768 : vector<16xi32>
        %gather3A_770 = tpu.vector_load_idx %arg13[%add3A_769, %sub3A] : memref<176x3xf32, #tpu.memory_space<vmem>>[vector<16xi32>, vector<16xi32>], vector<16xf32>,
        %add3A_771 = arith.addf %scan3A_763#0, %gather3A_770 : vector<16xf32>
        %gather3A_772 = tpu.vector_load_idx %arg13[%add3A_769, %add3A_3] : memref<176x3xf32, #tpu.memory_space<vmem>>[vector<16xi32>, vector<16xi32>], vector<16xf32>,
        %add3A_773 = arith.addf %scan3A_763#1, %gather3A_772 : vector<16xf32>
        %add3A_774 = arith.constant 1 : i32
        %add3A_775 = vector.broadcast %add3A_774 : i32 to vector<16xi32>
        %add3A_776 = arith.addi %add3A_3, %add3A_775 : vector<16xi32>
        %gather3A_777 = tpu.vector_load_idx %arg13[%add3A_769, %add3A_776] : memref<176x3xf32, #tpu.memory_space<vmem>>[vector<16xi32>, vector<16xi32>], vector<16xf32>,
        %add3A_778 = arith.addf %scan3A_763#2, %gather3A_777 : vector<16xf32>
        %scan3A_779 = arith.constant 9 : i32
        %scan3A_780 = arith.addi %scan3A_759, %scan3A_779 : i32
        %mul3A_781 = arith.constant 16 : i32
        %mul3A_782 = arith.muli %scan3A_780, %mul3A_781 : i32
        %add3A_783 = vector.broadcast %mul3A_782 : i32 to vector<16xi32>
        %add3A_784 = arith.addi %iota3A, %add3A_783 : vector<16xi32>
        %gather3A_785 = tpu.vector_load_idx %arg13[%add3A_784, %sub3A] : memref<176x3xf32, #tpu.memory_space<vmem>>[vector<16xi32>, vector<16xi32>], vector<16xf32>,
        %add3A_786 = arith.addf %add3A_771, %gather3A_785 : vector<16xf32>
        %gather3A_787 = tpu.vector_load_idx %arg13[%add3A_784, %add3A_3] : memref<176x3xf32, #tpu.memory_space<vmem>>[vector<16xi32>, vector<16xi32>], vector<16xf32>,
        %add3A_788 = arith.addf %add3A_773, %gather3A_787 : vector<16xf32>
        %add3A_789 = arith.constant 1 : i32
        %add3A_790 = vector.broadcast %add3A_789 : i32 to vector<16xi32>
        %add3A_791 = arith.addi %add3A_3, %add3A_790 : vector<16xi32>
        %gather3A_792 = tpu.vector_load_idx %arg13[%add3A_784, %add3A_791] : memref<176x3xf32, #tpu.memory_space<vmem>>[vector<16xi32>, vector<16xi32>], vector<16xf32>,
        %add3A_793 = arith.addf %add3A_778, %gather3A_792 : vector<16xf32>
        %scan3A_794 = arith.constant 10 : i32
        %scan3A_795 = arith.addi %scan3A_759, %scan3A_794 : i32
        %mul3A_796 = arith.constant 16 : i32
        %mul3A_797 = arith.muli %scan3A_795, %mul3A_796 : i32
        %add3A_798 = vector.broadcast %mul3A_797 : i32 to vector<16xi32>
        %add3A_799 = arith.addi %iota3A, %add3A_798 : vector<16xi32>
        %gather3A_800 = tpu.vector_load_idx %arg13[%add3A_799, %sub3A] : memref<176x3xf32, #tpu.memory_space<vmem>>[vector<16xi32>, vector<16xi32>], vector<16xf32>,
        %add3A_801 = arith.addf %add3A_786, %gather3A_800 : vector<16xf32>
        %gather3A_802 = tpu.vector_load_idx %arg13[%add3A_799, %add3A_3] : memref<176x3xf32, #tpu.memory_space<vmem>>[vector<16xi32>, vector<16xi32>], vector<16xf32>,
        %add3A_803 = arith.addf %add3A_788, %gather3A_802 : vector<16xf32>
        %add3A_804 = arith.constant 1 : i32
        %add3A_805 = vector.broadcast %add3A_804 : i32 to vector<16xi32>
        %add3A_806 = arith.addi %add3A_3, %add3A_805 : vector<16xi32>
        %gather3A_807 = tpu.vector_load_idx %arg13[%add3A_799, %add3A_806] : memref<176x3xf32, #tpu.memory_space<vmem>>[vector<16xi32>, vector<16xi32>], vector<16xf32>,
        %add3A_808 = arith.addf %add3A_793, %gather3A_807 : vector<16xf32>
        %scan3A_809 = arith.constant 11 : i32
        %lt3A_810 = arith.constant 34 : i32
        %lt3A_811 = arith.cmpi slt, %scan3A_749, %lt3A_810 : i32
        %convert_element_type3A_812 = arith.extui %lt3A_811 : i1 to i32
        %cond3A_813 = arith.constant 0 : i32
        %cond3A_814 = arith.cmpi ne, %convert_element_type3A_812, %cond3A_813 : i32
        scf.if %cond3A_814 {
          %add3A_815 = arith.constant 1 : i32
          %add3A_816 = arith.addi %scan3A_749, %add3A_815 : i32
          %mul3A_817 = arith.constant 176 : i32
          %mul3A_818 = arith.muli %add3A_816, %mul3A_817 : i32
          %add3A_819 = arith.addi %mul3A_23, %mul3A_818 : i32
          %dma_start3A_820 = arith.constant 0 : i32
          %dma_start3A_821 = tpu.memref_slice %arg4[%add3A_819, %dma_start3A_820] : memref<100000x3xf32, #tpu.memory_space<hbm>> -> memref<176x3xf32, #tpu.memory_space<hbm>>
          %dma_start3A_822 = arith.constant 0 : i32
          %dma_start3A_823 = tpu.memref_slice %arg4[%add3A_819, %dma_start3A_822] : memref<100000x3xf32, #tpu.memory_space<hbm>> -> memref<176x3xf32, #tpu.memory_space<hbm>>
          tpu.enqueue_dma source(%dma_start3A_823 : memref<176x3xf32, #tpu.memory_space<hbm>>) target(%arg13 : memref<176x3xf32, #tpu.memory_space<vmem>>) target_semaphore(%arg21 : memref<!tpu.dma_semaphore, #tpu.memory_space<semaphore_mem>>)
        } else {
        }
        scf.yield %add3A_801, %add3A_803, %add3A_808 : vector<16xf32>, vector<16xf32>, vector<16xf32>
      }
      %scan3A_572 = arith.constant 35 : i32
      %lt3A_573 = arith.constant 15 : i32
      %lt3A_574 = arith.cmpi slt, %arg1, %lt3A_573 : i32
      %convert_element_type3A_575 = arith.extui %lt3A_574 : i1 to i32
      %cond3A_576 = arith.constant 0 : i32
      %cond3A_577 = arith.cmpi ne, %convert_element_type3A_575, %cond3A_576 : i32
      scf.if %cond3A_577 {
        %add3A_749 = arith.constant 6160 : i32
        %add3A_750 = arith.addi %mul3A_23, %add3A_749 : i32
        %dma_start3A_751 = arith.constant 0 : i32
        %dma_start3A_752 = arith.constant 0 : i32
        %dma_start3A_753 = tpu.memref_slice %arg13[%dma_start3A_751, %dma_start3A_752] : memref<176x3xf32, #tpu.memory_space<vmem>> -> memref<96x3xf32, #tpu.memory_space<vmem>>
        %dma_start3A_754 = arith.constant 0 : i32
        %dma_start3A_755 = tpu.memref_slice %arg4[%add3A_750, %dma_start3A_754] : memref<100000x3xf32, #tpu.memory_space<hbm>> -> memref<96x3xf32, #tpu.memory_space<hbm>>
        %dma_start3A_756 = arith.constant 0 : i32
        %dma_start3A_757 = arith.constant 0 : i32
        %dma_start3A_758 = tpu.memref_slice %arg13[%dma_start3A_756, %dma_start3A_757] : memref<176x3xf32, #tpu.memory_space<vmem>> -> memref<96x3xf32, #tpu.memory_space<vmem>>
        %dma_start3A_759 = arith.constant 0 : i32
        %dma_start3A_760 = tpu.memref_slice %arg4[%add3A_750, %dma_start3A_759] : memref<100000x3xf32, #tpu.memory_space<hbm>> -> memref<96x3xf32, #tpu.memory_space<hbm>>
        tpu.enqueue_dma source(%dma_start3A_760 : memref<96x3xf32, #tpu.memory_space<hbm>>) target(%dma_start3A_758 : memref<96x3xf32, #tpu.memory_space<vmem>>) target_semaphore(%arg21 : memref<!tpu.dma_semaphore, #tpu.memory_space<semaphore_mem>>)
      } else {
      }
      %lt3A_578 = arith.constant 15 : i32
      %lt3A_579 = arith.cmpi slt, %arg1, %lt3A_578 : i32
      %convert_element_type3A_580 = arith.extui %lt3A_579 : i1 to i32
      %cond3A_581 = arith.constant 0 : i32
      %cond3A_582 = arith.cmpi ne, %convert_element_type3A_580, %cond3A_581 : i32
      scf.if %cond3A_582 {
        %dma_wait3A_749 = arith.constant 0 : i32
        %dma_wait3A_750 = arith.constant 0 : i32
        %dma_wait3A_751 = tpu.memref_slice %arg13[%dma_wait3A_749, %dma_wait3A_750] : memref<176x3xf32, #tpu.memory_space<vmem>> -> memref<96x3xf32, #tpu.memory_space<vmem>>
        %dma_wait3A_752 = arith.constant 0 : i32
        %dma_wait3A_753 = arith.constant 0 : i32
        %dma_wait3A_754 = tpu.memref_slice %arg4[%dma_wait3A_752, %dma_wait3A_753] : memref<100000x3xf32, #tpu.memory_space<hbm>> -> memref<96x3xf32, #tpu.memory_space<hbm>>
        %dma_wait3A_755 = arith.constant 0 : i32
        %dma_wait3A_756 = arith.constant 0 : i32
        %dma_wait3A_757 = tpu.memref_slice %arg13[%dma_wait3A_755, %dma_wait3A_756] : memref<176x3xf32, #tpu.memory_space<vmem>> -> memref<96x3xf32, #tpu.memory_space<vmem>>
        %dma_wait3A_758 = arith.constant 0 : i32
        %dma_wait3A_759 = arith.constant 0 : i32
        %dma_wait3A_760 = tpu.memref_slice %arg4[%dma_wait3A_758, %dma_wait3A_759] : memref<100000x3xf32, #tpu.memory_space<hbm>> -> memref<96x3xf32, #tpu.memory_space<hbm>>
        tpu.wait_dma2 semaphore(%arg21 : memref<!tpu.dma_semaphore, #tpu.memory_space<semaphore_mem>>) src(%dma_wait3A_760 : memref<96x3xf32, #tpu.memory_space<hbm>>) dst(%dma_wait3A_757 : memref<96x3xf32, #tpu.memory_space<vmem>>)
      } else {
      }
      %add3A_583 = vector.broadcast %arg1 : i32 to vector<16xi32>
      %add3A_584 = arith.addi %sub3A, %add3A_583 : vector<16xi32>
      %add3A_585 = arith.constant 16 : i32
      %add3A_586 = vector.broadcast %add3A_585 : i32 to vector<16xi32>
      %add3A_587 = arith.addi %sub3A, %add3A_586 : vector<16xi32>
      %sub3A_588 = arith.constant 1 : i32
      %sub3A_589 = vector.broadcast %sub3A_588 : i32 to vector<16xi32>
      %sub3A_590 = arith.subi %add3A_587, %sub3A_589 : vector<16xi32>
      %lt3A_591 = arith.cmpi slt, %add3A_584, %sub3A_590 : vector<16xi32>
      %add3A_592 = arith.constant 0 : i32
      %add3A_593 = vector.broadcast %add3A_592 : i32 to vector<16xi32>
      %add3A_594 = arith.addi %iota3A, %add3A_593 : vector<16xi32>
      %add3A_595 = arith.constant 0 : i32
      %add3A_596 = vector.broadcast %add3A_595 : i32 to vector<16xi32>
      %add3A_597 = arith.addi %sub3A, %add3A_596 : vector<16xi32>
      %gather3A_598 = tpu.vector_load_idx %arg13[%add3A_594, %add3A_597] : memref<176x3xf32, #tpu.memory_space<vmem>>[vector<16xi32>, vector<16xi32>], vector<16xf32>,
      %select_n3A_599 = arith.select %lt3A_591, %gather3A_598, %convert_element_type3A : vector<16xi1>, vector<16xf32>
      %add3A_600 = arith.addf %scan3A_571#0, %select_n3A_599 : vector<16xf32>
      %add3A_601 = arith.constant 1 : i32
      %add3A_602 = vector.broadcast %add3A_601 : i32 to vector<16xi32>
      %add3A_603 = arith.addi %sub3A, %add3A_602 : vector<16xi32>
      %gather3A_604 = tpu.vector_load_idx %arg13[%add3A_594, %add3A_603] : memref<176x3xf32, #tpu.memory_space<vmem>>[vector<16xi32>, vector<16xi32>], vector<16xf32>,
      %select_n3A_605 = arith.select %lt3A_591, %gather3A_604, %convert_element_type3A : vector<16xi1>, vector<16xf32>
      %add3A_606 = arith.addf %scan3A_571#1, %select_n3A_605 : vector<16xf32>
      %add3A_607 = arith.constant 2 : i32
      %add3A_608 = vector.broadcast %add3A_607 : i32 to vector<16xi32>
      %add3A_609 = arith.addi %sub3A, %add3A_608 : vector<16xi32>
      %gather3A_610 = tpu.vector_load_idx %arg13[%add3A_594, %add3A_609] : memref<176x3xf32, #tpu.memory_space<vmem>>[vector<16xi32>, vector<16xi32>], vector<16xf32>,
      %select_n3A_611 = arith.select %lt3A_591, %gather3A_610, %convert_element_type3A : vector<16xi1>, vector<16xf32>
      %add3A_612 = arith.addf %scan3A_571#2, %select_n3A_611 : vector<16xf32>
      %add3A_613 = arith.constant 16 : i32
      %add3A_614 = vector.broadcast %add3A_613 : i32 to vector<16xi32>
      %add3A_615 = arith.addi %iota3A, %add3A_614 : vector<16xi32>
      %add3A_616 = arith.constant 0 : i32
      %add3A_617 = vector.broadcast %add3A_616 : i32 to vector<16xi32>
      %add3A_618 = arith.addi %sub3A, %add3A_617 : vector<16xi32>
      %gather3A_619 = tpu.vector_load_idx %arg13[%add3A_615, %add3A_618] : memref<176x3xf32, #tpu.memory_space<vmem>>[vector<16xi32>, vector<16xi32>], vector<16xf32>,
      %select_n3A_620 = arith.select %lt3A_591, %gather3A_619, %convert_element_type3A : vector<16xi1>, vector<16xf32>
      %add3A_621 = arith.addf %add3A_600, %select_n3A_620 : vector<16xf32>
      %add3A_622 = arith.constant 1 : i32
      %add3A_623 = vector.broadcast %add3A_622 : i32 to vector<16xi32>
      %add3A_624 = arith.addi %sub3A, %add3A_623 : vector<16xi32>
      %gather3A_625 = tpu.vector_load_idx %arg13[%add3A_615, %add3A_624] : memref<176x3xf32, #tpu.memory_space<vmem>>[vector<16xi32>, vector<16xi32>], vector<16xf32>,
      %select_n3A_626 = arith.select %lt3A_591, %gather3A_625, %convert_element_type3A : vector<16xi1>, vector<16xf32>
      %add3A_627 = arith.addf %add3A_606, %select_n3A_626 : vector<16xf32>
      %add3A_628 = arith.constant 2 : i32
      %add3A_629 = vector.broadcast %add3A_628 : i32 to vector<16xi32>
      %add3A_630 = arith.addi %sub3A, %add3A_629 : vector<16xi32>
      %gather3A_631 = tpu.vector_load_idx %arg13[%add3A_615, %add3A_630] : memref<176x3xf32, #tpu.memory_space<vmem>>[vector<16xi32>, vector<16xi32>], vector<16xf32>,
      %select_n3A_632 = arith.select %lt3A_591, %gather3A_631, %convert_element_type3A : vector<16xi1>, vector<16xf32>
      %add3A_633 = arith.addf %add3A_612, %select_n3A_632 : vector<16xf32>
      %add3A_634 = arith.constant 32 : i32
      %add3A_635 = vector.broadcast %add3A_634 : i32 to vector<16xi32>
      %add3A_636 = arith.addi %iota3A, %add3A_635 : vector<16xi32>
      %add3A_637 = arith.constant 0 : i32
      %add3A_638 = vector.broadcast %add3A_637 : i32 to vector<16xi32>
      %add3A_639 = arith.addi %sub3A, %add3A_638 : vector<16xi32>
      %gather3A_640 = tpu.vector_load_idx %arg13[%add3A_636, %add3A_639] : memref<176x3xf32, #tpu.memory_space<vmem>>[vector<16xi32>, vector<16xi32>], vector<16xf32>,
      %select_n3A_641 = arith.select %lt3A_591, %gather3A_640, %convert_element_type3A : vector<16xi1>, vector<16xf32>
      %add3A_642 = arith.addf %add3A_621, %select_n3A_641 : vector<16xf32>
      %add3A_643 = arith.constant 1 : i32
      %add3A_644 = vector.broadcast %add3A_643 : i32 to vector<16xi32>
      %add3A_645 = arith.addi %sub3A, %add3A_644 : vector<16xi32>
      %gather3A_646 = tpu.vector_load_idx %arg13[%add3A_636, %add3A_645] : memref<176x3xf32, #tpu.memory_space<vmem>>[vector<16xi32>, vector<16xi32>], vector<16xf32>,
      %select_n3A_647 = arith.select %lt3A_591, %gather3A_646, %convert_element_type3A : vector<16xi1>, vector<16xf32>
      %add3A_648 = arith.addf %add3A_627, %select_n3A_647 : vector<16xf32>
      %add3A_649 = arith.constant 2 : i32
      %add3A_650 = vector.broadcast %add3A_649 : i32 to vector<16xi32>
      %add3A_651 = arith.addi %sub3A, %add3A_650 : vector<16xi32>
      %gather3A_652 = tpu.vector_load_idx %arg13[%add3A_636, %add3A_651] : memref<176x3xf32, #tpu.memory_space<vmem>>[vector<16xi32>, vector<16xi32>], vector<16xf32>,
      %select_n3A_653 = arith.select %lt3A_591, %gather3A_652, %convert_element_type3A : vector<16xi1>, vector<16xf32>
      %add3A_654 = arith.addf %add3A_633, %select_n3A_653 : vector<16xf32>
      %add3A_655 = arith.constant 48 : i32
      %add3A_656 = vector.broadcast %add3A_655 : i32 to vector<16xi32>
      %add3A_657 = arith.addi %iota3A, %add3A_656 : vector<16xi32>
      %add3A_658 = arith.constant 0 : i32
      %add3A_659 = vector.broadcast %add3A_658 : i32 to vector<16xi32>
      %add3A_660 = arith.addi %sub3A, %add3A_659 : vector<16xi32>
      %gather3A_661 = tpu.vector_load_idx %arg13[%add3A_657, %add3A_660] : memref<176x3xf32, #tpu.memory_space<vmem>>[vector<16xi32>, vector<16xi32>], vector<16xf32>,
      %select_n3A_662 = arith.select %lt3A_591, %gather3A_661, %convert_element_type3A : vector<16xi1>, vector<16xf32>
      %add3A_663 = arith.addf %add3A_642, %select_n3A_662 : vector<16xf32>
      %add3A_664 = arith.constant 1 : i32
      %add3A_665 = vector.broadcast %add3A_664 : i32 to vector<16xi32>
      %add3A_666 = arith.addi %sub3A, %add3A_665 : vector<16xi32>
      %gather3A_667 = tpu.vector_load_idx %arg13[%add3A_657, %add3A_666] : memref<176x3xf32, #tpu.memory_space<vmem>>[vector<16xi32>, vector<16xi32>], vector<16xf32>,
      %select_n3A_668 = arith.select %lt3A_591, %gather3A_667, %convert_element_type3A : vector<16xi1>, vector<16xf32>
      %add3A_669 = arith.addf %add3A_648, %select_n3A_668 : vector<16xf32>
      %add3A_670 = arith.constant 2 : i32
      %add3A_671 = vector.broadcast %add3A_670 : i32 to vector<16xi32>
      %add3A_672 = arith.addi %sub3A, %add3A_671 : vector<16xi32>
      %gather3A_673 = tpu.vector_load_idx %arg13[%add3A_657, %add3A_672] : memref<176x3xf32, #tpu.memory_space<vmem>>[vector<16xi32>, vector<16xi32>], vector<16xf32>,
      %select_n3A_674 = arith.select %lt3A_591, %gather3A_673, %convert_element_type3A : vector<16xi1>, vector<16xf32>
      %add3A_675 = arith.addf %add3A_654, %select_n3A_674 : vector<16xf32>
      %add3A_676 = arith.constant 64 : i32
      %add3A_677 = vector.broadcast %add3A_676 : i32 to vector<16xi32>
      %add3A_678 = arith.addi %iota3A, %add3A_677 : vector<16xi32>
      %add3A_679 = arith.constant 0 : i32
      %add3A_680 = vector.broadcast %add3A_679 : i32 to vector<16xi32>
      %add3A_681 = arith.addi %sub3A, %add3A_680 : vector<16xi32>
      %gather3A_682 = tpu.vector_load_idx %arg13[%add3A_678, %add3A_681] : memref<176x3xf32, #tpu.memory_space<vmem>>[vector<16xi32>, vector<16xi32>], vector<16xf32>,
      %select_n3A_683 = arith.select %lt3A_591, %gather3A_682, %convert_element_type3A : vector<16xi1>, vector<16xf32>
      %add3A_684 = arith.addf %add3A_663, %select_n3A_683 : vector<16xf32>
      %add3A_685 = arith.constant 1 : i32
      %add3A_686 = vector.broadcast %add3A_685 : i32 to vector<16xi32>
      %add3A_687 = arith.addi %sub3A, %add3A_686 : vector<16xi32>
      %gather3A_688 = tpu.vector_load_idx %arg13[%add3A_678, %add3A_687] : memref<176x3xf32, #tpu.memory_space<vmem>>[vector<16xi32>, vector<16xi32>], vector<16xf32>,
      %select_n3A_689 = arith.select %lt3A_591, %gather3A_688, %convert_element_type3A : vector<16xi1>, vector<16xf32>
      %add3A_690 = arith.addf %add3A_669, %select_n3A_689 : vector<16xf32>
      %add3A_691 = arith.constant 2 : i32
      %add3A_692 = vector.broadcast %add3A_691 : i32 to vector<16xi32>
      %add3A_693 = arith.addi %sub3A, %add3A_692 : vector<16xi32>
      %gather3A_694 = tpu.vector_load_idx %arg13[%add3A_678, %add3A_693] : memref<176x3xf32, #tpu.memory_space<vmem>>[vector<16xi32>, vector<16xi32>], vector<16xf32>,
      %select_n3A_695 = arith.select %lt3A_591, %gather3A_694, %convert_element_type3A : vector<16xi1>, vector<16xf32>
      %add3A_696 = arith.addf %add3A_675, %select_n3A_695 : vector<16xf32>
      %add3A_697 = arith.constant 80 : i32
      %add3A_698 = vector.broadcast %add3A_697 : i32 to vector<16xi32>
      %add3A_699 = arith.addi %iota3A, %add3A_698 : vector<16xi32>
      %add3A_700 = arith.constant 0 : i32
      %add3A_701 = vector.broadcast %add3A_700 : i32 to vector<16xi32>
      %add3A_702 = arith.addi %sub3A, %add3A_701 : vector<16xi32>
      %gather3A_703 = tpu.vector_load_idx %arg13[%add3A_699, %add3A_702] : memref<176x3xf32, #tpu.memory_space<vmem>>[vector<16xi32>, vector<16xi32>], vector<16xf32>,
      %select_n3A_704 = arith.select %lt3A_591, %gather3A_703, %convert_element_type3A : vector<16xi1>, vector<16xf32>
      %add3A_705 = arith.addf %add3A_684, %select_n3A_704 : vector<16xf32>
      %add3A_706 = arith.constant 1 : i32
      %add3A_707 = vector.broadcast %add3A_706 : i32 to vector<16xi32>
      %add3A_708 = arith.addi %sub3A, %add3A_707 : vector<16xi32>
      %gather3A_709 = tpu.vector_load_idx %arg13[%add3A_699, %add3A_708] : memref<176x3xf32, #tpu.memory_space<vmem>>[vector<16xi32>, vector<16xi32>], vector<16xf32>,
      %select_n3A_710 = arith.select %lt3A_591, %gather3A_709, %convert_element_type3A : vector<16xi1>, vector<16xf32>
      %add3A_711 = arith.addf %add3A_690, %select_n3A_710 : vector<16xf32>
      %add3A_712 = arith.constant 2 : i32
      %add3A_713 = vector.broadcast %add3A_712 : i32 to vector<16xi32>
      %add3A_714 = arith.addi %sub3A, %add3A_713 : vector<16xi32>
      %gather3A_715 = tpu.vector_load_idx %arg13[%add3A_699, %add3A_714] : memref<176x3xf32, #tpu.memory_space<vmem>>[vector<16xi32>, vector<16xi32>], vector<16xf32>,
      %select_n3A_716 = arith.select %lt3A_591, %gather3A_715, %convert_element_type3A : vector<16xi1>, vector<16xf32>
      %add3A_717 = arith.addf %add3A_696, %select_n3A_716 : vector<16xf32>
      %reduce_sum3A = arith.constant true
      %reduce_sum3A_718 = vector.broadcast %reduce_sum3A : i1 to vector<16xi1>
      %reduce_sum3A_719 = tpu.scan <sum>, %add3A_705 masked %reduce_sum3A_718 : vector<16xf32>, vector<16xi1> -> vector<16xf32>
      %reduce_sum3A_720 = vector.extract %reduce_sum3A_719[15] : f32 from vector<16xf32>
      %broadcast_in_dim3A = vector.broadcast %reduce_sum3A_720 : f32 to vector<16xf32>
      %eq3A_721 = arith.constant 0 : i32
      %eq3A_722 = vector.broadcast %eq3A_721 : i32 to vector<16xi32>
      %eq3A_723 = arith.cmpi eq, %iota3A, %eq3A_722 : vector<16xi32>
      %select_n3A_724 = arith.select %eq3A_723, %broadcast_in_dim3A, %convert_element_type3A : vector<16xi1>, vector<16xf32>
      %add3A_725 = arith.addf %convert_element_type3A, %select_n3A_724 : vector<16xf32>
      %reduce_sum3A_726 = arith.constant true
      %reduce_sum3A_727 = vector.broadcast %reduce_sum3A_726 : i1 to vector<16xi1>
      %reduce_sum3A_728 = tpu.scan <sum>, %add3A_711 masked %reduce_sum3A_727 : vector<16xf32>, vector<16xi1> -> vector<16xf32>
      %reduce_sum3A_729 = vector.extract %reduce_sum3A_728[15] : f32 from vector<16xf32>
      %broadcast_in_dim3A_730 = vector.broadcast %reduce_sum3A_729 : f32 to vector<16xf32>
      %eq3A_731 = arith.constant 1 : i32
      %eq3A_732 = vector.broadcast %eq3A_731 : i32 to vector<16xi32>
      %eq3A_733 = arith.cmpi eq, %iota3A, %eq3A_732 : vector<16xi32>
      %select_n3A_734 = arith.select %eq3A_733, %broadcast_in_dim3A_730, %convert_element_type3A : vector<16xi1>, vector<16xf32>
      %add3A_735 = arith.addf %add3A_725, %select_n3A_734 : vector<16xf32>
      %reduce_sum3A_736 = arith.constant true
      %reduce_sum3A_737 = vector.broadcast %reduce_sum3A_736 : i1 to vector<16xi1>
      %reduce_sum3A_738 = tpu.scan <sum>, %add3A_717 masked %reduce_sum3A_737 : vector<16xf32>, vector<16xi1> -> vector<16xf32>
      %reduce_sum3A_739 = vector.extract %reduce_sum3A_738[15] : f32 from vector<16xf32>
      %broadcast_in_dim3A_740 = vector.broadcast %reduce_sum3A_739 : f32 to vector<16xf32>
      %eq3A_741 = arith.constant 2 : i32
      %eq3A_742 = vector.broadcast %eq3A_741 : i32 to vector<16xi32>
      %eq3A_743 = arith.cmpi eq, %iota3A, %eq3A_742 : vector<16xi32>
      %select_n3A_744 = arith.select %eq3A_743, %broadcast_in_dim3A_740, %convert_element_type3A : vector<16xi1>, vector<16xf32>
      %add3A_745 = arith.addf %add3A_735, %select_n3A_744 : vector<16xf32>
      %swap3A = arith.constant 0 : index
      %swap3A_746 = tpu.vector_load %arg14[%swap3A] {strides = array<i32>} : memref<16xf32, #tpu.memory_space<vmem>>, vector<16xf32>,
      tpu.vector_store %arg14[%swap3A], %add3A_745 {strides = array<i32>} : memref<16xf32, #tpu.memory_space<vmem>>, vector<16xf32>,
      %mul3A_747 = arith.constant 16 : i32
      %mul3A_748 = arith.muli %arg1, %mul3A_747 : i32
      "tpu.region"() ({
        %run_scoped3A = tpu.sem_alloc : memref<!tpu.dma_semaphore, #tpu.memory_space<semaphore_mem>>
        %dma_start3A_749 = tpu.memref_slice %arg17[%mul3A_748] : memref<256xf32, #tpu.memory_space<vmem_shared>> -> memref<16xf32, #tpu.memory_space<vmem_shared>>
        %dma_start3A_750 = tpu.memref_slice %arg17[%mul3A_748] : memref<256xf32, #tpu.memory_space<vmem_shared>> -> memref<16xf32, #tpu.memory_space<vmem_shared>>
        tpu.enqueue_dma source(%arg14 : memref<16xf32, #tpu.memory_space<vmem>>) target(%dma_start3A_750 : memref<16xf32, #tpu.memory_space<vmem_shared>>) target_semaphore(%run_scoped3A : memref<!tpu.dma_semaphore, #tpu.memory_space<semaphore_mem>>)
        %dma_wait3A_751 = tpu.memref_slice %arg17[%mul3A_748] : memref<256xf32, #tpu.memory_space<vmem_shared>> -> memref<16xf32, #tpu.memory_space<vmem_shared>>
        %dma_wait3A_752 = tpu.memref_slice %arg17[%mul3A_748] : memref<256xf32, #tpu.memory_space<vmem_shared>> -> memref<16xf32, #tpu.memory_space<vmem_shared>>
        tpu.wait_dma2 semaphore(%run_scoped3A : memref<!tpu.dma_semaphore, #tpu.memory_space<semaphore_mem>>) src(%arg14 : memref<16xf32, #tpu.memory_space<vmem>>) dst(%dma_wait3A_752 : memref<16xf32, #tpu.memory_space<vmem_shared>>)
        tpu.yield
      }) : () -> ()
    } else {
    }
    %barrier3A = arith.constant 0 : index
    tpu.barrier barrier_id(%barrier3A)
    %eq3A_557 = arith.constant 0 : i32
    %eq3A_558 = arith.cmpi eq, %arg0, %eq3A_557 : i32
    %eq3A_559 = arith.constant 0 : i32
    %eq3A_560 = arith.cmpi eq, %arg1, %eq3A_559 : i32
    %and3A_561 = arith.andi %eq3A_558, %eq3A_560 : i1
    %convert_element_type3A_562 = arith.extui %and3A_561 : i1 to i32
    %cond3A_563 = arith.constant 0 : i32
    %cond3A_564 = arith.cmpi ne, %convert_element_type3A_562, %cond3A_563 : i32
    scf.if %cond3A_564 {
      "tpu.region"() ({
        %run_scoped3A = tpu.sem_alloc : memref<!tpu.dma_semaphore, #tpu.memory_space<semaphore_mem>>
        tpu.enqueue_dma source(%arg17 : memref<256xf32, #tpu.memory_space<vmem_shared>>) target(%arg15 : memref<256xf32, #tpu.memory_space<vmem>>) target_semaphore(%run_scoped3A : memref<!tpu.dma_semaphore, #tpu.memory_space<semaphore_mem>>)
        tpu.wait_dma2 semaphore(%run_scoped3A : memref<!tpu.dma_semaphore, #tpu.memory_space<semaphore_mem>>) src(%arg17 : memref<256xf32, #tpu.memory_space<vmem_shared>>) dst(%arg15 : memref<256xf32, #tpu.memory_space<vmem>>)
        tpu.yield
      }) : () -> ()
      %get3A = arith.constant 0 : index
      %get3A_567 = tpu.vector_load %arg15[%get3A] {strides = array<i32>} : memref<256xf32, #tpu.memory_space<vmem>>, vector<16xf32>,
      %add3A_568 = arith.addf %convert_element_type3A, %get3A_567 : vector<16xf32>
      %get3A_569 = arith.constant 16 : index
      %get3A_570 = tpu.vector_load %arg15[%get3A_569] {strides = array<i32>} : memref<256xf32, #tpu.memory_space<vmem>>, vector<16xf32>,
      %add3A_571 = arith.addf %add3A_568, %get3A_570 : vector<16xf32>
      %get3A_572 = arith.constant 32 : index
      %get3A_573 = tpu.vector_load %arg15[%get3A_572] {strides = array<i32>} : memref<256xf32, #tpu.memory_space<vmem>>, vector<16xf32>,
      %add3A_574 = arith.addf %add3A_571, %get3A_573 : vector<16xf32>
      %get3A_575 = arith.constant 48 : index
      %get3A_576 = tpu.vector_load %arg15[%get3A_575] {strides = array<i32>} : memref<256xf32, #tpu.memory_space<vmem>>, vector<16xf32>,
      %add3A_577 = arith.addf %add3A_574, %get3A_576 : vector<16xf32>
      %get3A_578 = arith.constant 64 : index
      %get3A_579 = tpu.vector_load %arg15[%get3A_578] {strides = array<i32>} : memref<256xf32, #tpu.memory_space<vmem>>, vector<16xf32>,
      %add3A_580 = arith.addf %add3A_577, %get3A_579 : vector<16xf32>
      %get3A_581 = arith.constant 80 : index
      %get3A_582 = tpu.vector_load %arg15[%get3A_581] {strides = array<i32>} : memref<256xf32, #tpu.memory_space<vmem>>, vector<16xf32>,
      %add3A_583 = arith.addf %add3A_580, %get3A_582 : vector<16xf32>
      %get3A_584 = arith.constant 96 : index
      %get3A_585 = tpu.vector_load %arg15[%get3A_584] {strides = array<i32>} : memref<256xf32, #tpu.memory_space<vmem>>, vector<16xf32>,
      %add3A_586 = arith.addf %add3A_583, %get3A_585 : vector<16xf32>
      %get3A_587 = arith.constant 112 : index
      %get3A_588 = tpu.vector_load %arg15[%get3A_587] {strides = array<i32>} : memref<256xf32, #tpu.memory_space<vmem>>, vector<16xf32>,
      %add3A_589 = arith.addf %add3A_586, %get3A_588 : vector<16xf32>
      %get3A_590 = arith.constant 128 : index
      %get3A_591 = tpu.vector_load %arg15[%get3A_590] {strides = array<i32>} : memref<256xf32, #tpu.memory_space<vmem>>, vector<16xf32>,
      %add3A_592 = arith.addf %add3A_589, %get3A_591 : vector<16xf32>
      %get3A_593 = arith.constant 144 : index
      %get3A_594 = tpu.vector_load %arg15[%get3A_593] {strides = array<i32>} : memref<256xf32, #tpu.memory_space<vmem>>, vector<16xf32>,
      %add3A_595 = arith.addf %add3A_592, %get3A_594 : vector<16xf32>
      %get3A_596 = arith.constant 160 : index
      %get3A_597 = tpu.vector_load %arg15[%get3A_596] {strides = array<i32>} : memref<256xf32, #tpu.memory_space<vmem>>, vector<16xf32>,
      %add3A_598 = arith.addf %add3A_595, %get3A_597 : vector<16xf32>
      %get3A_599 = arith.constant 176 : index
      %get3A_600 = tpu.vector_load %arg15[%get3A_599] {strides = array<i32>} : memref<256xf32, #tpu.memory_space<vmem>>, vector<16xf32>,
      %add3A_601 = arith.addf %add3A_598, %get3A_600 : vector<16xf32>
      %get3A_602 = arith.constant 192 : index
      %get3A_603 = tpu.vector_load %arg15[%get3A_602] {strides = array<i32>} : memref<256xf32, #tpu.memory_space<vmem>>, vector<16xf32>,
      %add3A_604 = arith.addf %add3A_601, %get3A_603 : vector<16xf32>
      %get3A_605 = arith.constant 208 : index
      %get3A_606 = tpu.vector_load %arg15[%get3A_605] {strides = array<i32>} : memref<256xf32, #tpu.memory_space<vmem>>, vector<16xf32>,
      %add3A_607 = arith.addf %add3A_604, %get3A_606 : vector<16xf32>
      %get3A_608 = arith.constant 224 : index
      %get3A_609 = tpu.vector_load %arg15[%get3A_608] {strides = array<i32>} : memref<256xf32, #tpu.memory_space<vmem>>, vector<16xf32>,
      %add3A_610 = arith.addf %add3A_607, %get3A_609 : vector<16xf32>
      %get3A_611 = arith.constant 240 : index
      %get3A_612 = tpu.vector_load %arg15[%get3A_611] {strides = array<i32>} : memref<256xf32, #tpu.memory_space<vmem>>, vector<16xf32>,
      %add3A_613 = arith.addf %add3A_610, %get3A_612 : vector<16xf32>
      %add3A_614 = arith.constant 9.99999974E-6 : f32
      %add3A_615 = vector.broadcast %add3A_614 : f32 to vector<16xf32>
      %add3A_616 = arith.addf %convert_element_type3A, %add3A_615 : vector<16xf32>
      %mul3A_617 = arith.mulf %add3A_613, %add3A_616 : vector<16xf32>
      %lt3A_618 = arith.constant 3 : i32
      %lt3A_619 = vector.broadcast %lt3A_618 : i32 to vector<16xi32>
      %lt3A_620 = arith.cmpi slt, %iota3A, %lt3A_619 : vector<16xi32>
      tpu.vector_store_idx %arg16[%sub3A, %iota3A], %mul3A_617 masked %lt3A_620 : memref<1x3xf32, #tpu.memory_space<vmem>>[vector<16xi32>, vector<16xi32>], vector<16xf32>, vector<16xi1>
      "tpu.region"() ({
        %run_scoped3A = tpu.sem_alloc : memref<!tpu.dma_semaphore, #tpu.memory_space<semaphore_mem>>
        tpu.enqueue_dma source(%arg16 : memref<1x3xf32, #tpu.memory_space<vmem>>) target(%arg7 : memref<1x3xf32, #tpu.memory_space<hbm>>) target_semaphore(%run_scoped3A : memref<!tpu.dma_semaphore, #tpu.memory_space<semaphore_mem>>)
        tpu.wait_dma2 semaphore(%run_scoped3A : memref<!tpu.dma_semaphore, #tpu.memory_space<semaphore_mem>>) src(%arg16 : memref<1x3xf32, #tpu.memory_space<vmem>>) dst(%arg7 : memref<1x3xf32, #tpu.memory_space<hbm>>)
        tpu.yield
      }) : () -> ()
    } else {
    }
    %dma_wait3A_565 = tpu.memref_slice %arg8[%mul3A_14] : memref<100000xi32, #tpu.memory_space<hbm>> -> memref<3136xi32, #tpu.memory_space<hbm>>
    %dma_wait3A_566 = tpu.memref_slice %arg8[%mul3A_14] : memref<100000xi32, #tpu.memory_space<hbm>> -> memref<3136xi32, #tpu.memory_space<hbm>>
    tpu.wait_dma2 semaphore(%arg19 : memref<!tpu.dma_semaphore, #tpu.memory_space<semaphore_mem>>) src(%arg9 : memref<3136xi32, #tpu.memory_space<vmem>>) dst(%dma_wait3A_566 : memref<3136xi32, #tpu.memory_space<hbm>>)
    return
  }
}

</mosaic_0001>

<sc_bundles>
// kernel: kernel.3.cloned.1.call-start
scs
__scs_entry_jumppad:
0x0: {  	(pc) =	sbr.rel $0x88, $3  }
0x1: {  	(tag) =	ssettag $0x0;
	lr =	simm.s32 $0x1  }
0x2: {  	[smem:$0x3F9E] =	sst lr;
	_ =	strace $0xD0000000  }
0x3: {  	_ = 	snop  }
0x4: {  	_ = 	snop  }
0x5: {  	_ = 	snop  }
0x6: {  	_ = 	snop  }
0x7: {  	_ = 	snop  }
__scs_overlays_trampoline_lowered:
0x8: {  	[smem:$0x3FAD] =	sst s0  }
0x9: {  	[smem:$0x3FAE] =	sst s1  }
0xa: {  	[smem:$0x3FAF] =	sst s2  }
0xb: {  	[smem:$0x3FB0] =	sst s3  }
0xc: {  	[smem:$0x3FB1] =	sst s4  }
0xd: {  	[smem:$0x3FB2] =	sst s5  }
0xe: {  	[smem:$0x3FB3] =	sst s6  }
0xf: {  	[smem:$0x3FB4] =	sst s7  }
0x10: {  	[smem:$0x3FB5] =	sst s8  }
0x11: {  	[smem:$0x3FB6] =	sst s9;
	s0 =	simm.s32 @!p0 $0x0  }
0x12: {  	s1 =	sld [smem:$0x3F9C];
	s0 =	simm.s32 @p0 $0x1  }
0x13: {  	[smem:$0x3FB7] =	sst s0;
	s0 =	simm.s32 @!p1 $0x0  }
0x14: {  	s2 =	sld [smem:$0x3F9B];
	s0 =	simm.s32 @p1 $0x1  }
0x15: {  	[smem:$0x3FB8] =	sst s0;
	s0 =	simm.s32 @!p2 $0x0  }
0x16: {  	s3 =	sld [smem:$0x3FDB];
	s0 =	simm.s32 @p2 $0x1  }
0x17: {  	s4 =	simm.s32 $0x1BF5;
	[smem:$0x3FBA] =	sst s0  }
0x18: {  	s0 =	sld [smem:$0x3F9D];
	_ =	swait.ge [sflag:s4], $0x0  }
0x19: {  	s7 =	sld [smem:$0x3F9E]  }
0x1a: {  	s8 =	sadd.s32 $0xFFFFE003, lr  }
0x1b: {  	s9 =	sadd.s32 $0xFFFFFEF7, lr;
	s5 =	simm.s32 $0xFFFFFFFF;
	p2 =	slt.u32 s8, $0xFFFFF086  }
0x1c: {  	p1 =	slt.u32 s9, $0xF7A;
	s5 =	simm.s32 @!p2 $0x0  }
0x1d: {  	s5 =	simm.s32 @p1 $0x1;
	p0 =	seq.s32 s7, s2  }
0x1e: {  	s7 =	smul.u32 @!p0 $0xF7A, s2;
	p2 =	seq.s32 @!p0 s5, $0x0  }
0x1f: {  	s9 =	smul.u32 $0xF7A, s1;
	s8 =	simm.s32 @!p0 $0x1BF5;
	p2 =	por !p2, p0  }
0x20: {  	[sflag:s8] =	ssyncset.s32 @!p0 $0xFFFFF086;
	s6 =	sadd.s32 @!p0 s3, s7;
	s7 =	simm.s32 @!p0 $0x108  }
0x21: {  	s3 =	sadd.s32 s3, s9;
	s6 =	sadd.s32 @!p0 $0x88, s6;
	s7 =	simm.s32 @p2 $0x1082  }
0x22: {  	[simem:s7], [sflag:s8] =	dma.local @!p0 [hbm:s6], $0xF7A  }
0x23: {  	s9 =	sor.u32 $0xD0000000, s2;
	s6 =	simm.s32 $0x108;
	_ =	swait.ge @!p0 [sflag:s8], $0x0  }
0x24: {  	s3 =	sadd.s32 $0x88, s3;
	s6 =	simm.s32 @!p1 $0x1082;
	[sflag:s4] =	ssyncset.s32 $0xFFFFF086  }
0x25: {  	[simem:s6], [sflag:s4] =	dma.local [hbm:s3], $0xF7A  }
0x26: {  	[smem:$0x3F9E] =	sst s1;
	(tag) =	ssettag s2;
	_ =	strace s9  }
0x27: {  	s1 =	sld [smem:$0x3FAE]  }
0x28: {  	s2 =	sld [smem:$0x3FAF]  }
0x29: {  	s4 =	sld [smem:$0x3FB1]  }
0x2a: {  	p0 =	seq.s32 s5, $0x0;
	s5 =	sld [smem:$0x3FB2]  }
0x2b: {  	s6 =	sld [smem:$0x3FB3]  }
0x2c: {  	s7 =	sld [smem:$0x3FB4]  }
0x2d: {  	s3 =	simm.s32 $0x108;
	s8 =	sld [smem:$0x3FB5]  }
0x2e: {  	s3 =	simm.s32 @!p0 $0x1082;
	s9 =	sld [smem:$0x3FB6]  }
0x2f: {  	lr =	sadd.s32 s0, s3;
	s0 =	sld [smem:$0x3FAD]  }
0x30: {  	s3 =	sld [smem:$0x3FB0]  }
0x31: {  	[smem:$0x3FB9] =	sst s10  }
0x32: {  	s10 =	sld [smem:$0x3FB7];
	_ =	sdelay $0x3  }
0x33: {  	p0 =	seq.s32 s10, $0x1;
	s10 =	sld [smem:$0x3FB9];
	_ =	sdelay $0x3  }
0x34: {  	[smem:$0x3FB9] =	sst s10  }
0x35: {  	s10 =	sld [smem:$0x3FB8];
	_ =	sdelay $0x3  }
0x36: {  	p1 =	seq.s32 s10, $0x1;
	s10 =	sld [smem:$0x3FB9];
	_ =	sdelay $0x3  }
0x37: {  	[smem:$0x3FB9] =	sst s10  }
0x38: {  	s10 =	sld [smem:$0x3FBA]  }
0x39: {  	_ = 	snop;
	(pc) =	sbr.ind lr, $3  }
0x3a: {  	_ = 	snop  }
0x3b: {  	_ = 	snop  }
0x3c: {  	p2 =	seq.s32 s10, $0x1;
	s10 =	sld [smem:$0x3FB9]  }
0x3d: {  	_ =	shalt  }
0x3e: {  	_ =	shalt  }
0x3f: {  	_ =	shalt  }
0x40: {  	_ =	shalt  }
0x41: {  	_ =	shalt  }
0x42: {  	_ =	shalt  }
0x43: {  	_ =	shalt  }
0x44: {  	_ =	shalt  }
0x45: {  	_ =	shalt  }
0x46: {  	_ =	shalt  }
0x47: {  	_ =	shalt  }
0x48: {  	_ =	shalt  }
0x49: {  	_ =	shalt  }
0x4a: {  	_ =	shalt  }
0x4b: {  	_ =	shalt  }
0x4c: {  	_ =	shalt  }
0x4d: {  	_ =	shalt  }
0x4e: {  	_ =	shalt  }
0x4f: {  	_ =	shalt  }
0x50: {  	_ =	shalt  }
0x51: {  	_ =	shalt  }
0x52: {  	_ =	shalt  }
0x53: {  	_ =	shalt  }
0x54: {  	_ =	shalt  }
0x55: {  	_ =	shalt  }
0x56: {  	_ =	shalt  }
0x57: {  	_ =	shalt  }
0x58: {  	_ =	shalt  }
0x59: {  	_ =	shalt  }
0x5a: {  	_ =	shalt  }
0x5b: {  	_ =	shalt  }
0x5c: {  	_ =	shalt  }
0x5d: {  	_ =	shalt  }
0x5e: {  	_ =	shalt  }
0x5f: {  	_ =	shalt  }
0x60: {  	_ =	shalt  }
0x61: {  	_ =	shalt  }
0x62: {  	_ =	shalt  }
0x63: {  	_ =	shalt  }
0x64: {  	_ =	shalt  }
0x65: {  	_ =	shalt  }
0x66: {  	_ =	shalt  }
0x67: {  	_ =	shalt  }
0x68: {  	_ =	shalt  }
0x69: {  	_ =	shalt  }
0x6a: {  	_ =	shalt  }
0x6b: {  	_ =	shalt  }
0x6c: {  	_ =	shalt  }
0x6d: {  	_ =	shalt  }
0x6e: {  	_ =	shalt  }
0x6f: {  	_ =	shalt  }
0x70: {  	_ =	shalt  }
0x71: {  	_ =	shalt  }
0x72: {  	_ =	shalt  }
0x73: {  	_ =	shalt  }
0x74: {  	_ =	shalt  }
0x75: {  	_ =	shalt  }
0x76: {  	_ =	shalt  }
0x77: {  	_ =	shalt  }
0x78: {  	_ =	shalt  }
0x79: {  	_ =	shalt  }
0x7a: {  	_ =	shalt  }
0x7b: {  	_ =	shalt  }
0x7c: {  	_ =	shalt  }
0x7d: {  	_ =	shalt  }
0x7e: {  	_ =	shalt  }
0x7f: {  	_ =	shalt  }
0x80: {  	_ =	shalt  }
0x81: {  	_ =	shalt  }
0x82: {  	_ =	shalt  }
0x83: {  	_ =	shalt  }
0x84: {  	_ =	shalt  }
0x85: {  	_ =	shalt  }
0x86: {  	_ =	shalt  }
0x87: {  	_ =	shalt  }
.Lfunc_end0:
.L_simem_size_0:
called_computation_lowered:
.L_overlay_start_0:
0x88: {  	s2 =	sld [smem:$0x3FD9]  }
0x89: {  	s3 =	sld [smem:$0x3FFE];
	_ =	sdelay $0x1  }
0x8a: {  	s1 =	srdreg.scid  }
0x8b: {  	s0 =	sand.u32 $0x1, s1  }
0x8c: {  	s14 =	sshll.u32 s0, $0xA;
	s2 =	sadd.s32 s3, s2  }
0x8d: {  	s2 =	sadd.s32 s2, s14  }
0x8e: {  	[smem:$0x3FC5] =	sst s2  }
0x8f: {  	_ = 	snop  }
0x90: {  	s2 =	sld [smem:$0x3FD0];
	_ =	sdelay $0x2  }
0x91: {  	s4 =	simm.s32 $0xA;
	s5 =	simm.s32 $0x10;
	s15 =	sld [smem:$0x3FC8]  }
0x92: {  	[smem:s5], [sflag:s4] =	dma.local [hbm:s2], $0x1  }
0x93: {  	_ =	swait.eq [sflag:s4], $0x1  }
0x94: {  	s16 =	sld [smem:$0x11];
	[sflag:s4] =	ssyncset.done $0x0  }
0x95: {  	s17 =	sld [smem:$0x12];
	[sflag:s4] =	ssyncadd.s32 $0xFFFFFFFF  }
0x96: {  	s18 =	sld [smem:$0x13];
	(tm) =	ssettm $0x1  }
0x97: {  	s6 =	sld [smem:$0x3FFB];
	_ =	sdelay $0x3  }
0x98: {  	_ =	strace s6  }
0x99: {  	s6 =	sld [smem:$0x3FFC];
	_ =	sdelay $0x3  }
0x9a: {  	_ =	strace s6  }
0x9b: {  	s6 =	sld [smem:$0x3FFD];
	_ =	sdelay $0x3  }
0x9c: {  	_ =	strace s6  }
0x9d: {  	_ =	strace $0x8FFFFFFF  }
0x9e: {  	s19 =	sld [smem:$0x3FDB];
	_ =	sdelay $0x1  }
0x9f: {  	s7 =	simm.s32 $_scs_section_size  }
0xa0: {  	s8 =	simm.s32 $_size__tile_overlayer_lowered;
	s9 =	simm.s32 $_tile_overlayer_lowered  }
0xa1: {  	s22 =	simm.s32 $0x1BFF;
	s21 =	sshll.u32 s9, $0x1;
	s6 =	sadd.s32 s7, s19  }
0xa2: {  	s10 =	simm.s32 $0x0;
	s20 =	sshll.u32 s8, $0x1;
	s8 =	sadd.s32 s21, s6  }
0xa3: {  	[timem:s10], [sflag:s22] =	dma.local [hbm:s8], s20  }
0xa4: {  	_ =	swait.ge [sflag:s22], s20  }
0xa5: {  	s7 =	ssub.s32 $0x0, s20;
	[sflag:s22] =	ssyncset.done $0x0  }
0xa6: {  	[sflag:s22] =	ssyncadd.s32 s7;
	_ =	sdelay $0x1  }
0xa7: {  	s23 =	simm.s32 $0x1B8B  }
0xa8: {  	_ =	swait.ge [sflag:s23], $0x1  }
0xa9: {  	[sflag:s23] =	ssyncset.done $0x0  }
0xaa: {  	s25 =	simm.s32 $0x1B8E;
	s24 =	sld [smem:$0x3FFE];
	[sflag:s23] =	ssyncadd.s32 $0xFFFFFFFF  }
0xab: {  	s26 =	simm.s32 $execute0_lowered;
	[smem:$0x3FD2] =	sst s25  }
0xac: {  	s8 =	sshll.u32 s26, $0x1;
	_ =	strace $0x80000046;
	[dreg:$0x1] =	wrdreg $0xFFFFFFFF  }
0xad: {  	s28 =	simm.s32 $_size_execute0_lowered;
	s6 =	sadd.s32 s6, s8;
	[dreg:$0x0] =	wrdreg $0x0  }
0xae: {  	s8 =	sshll.u32 s28, $0x1;
	[dreg:$0x2] =	wrdreg s6  }
0xaf: {  	[dreg:$0x3] =	wrdreg s8  }
0xb0: {  	[dreg:$0x4] =	wrdreg $0xC0  }
0xb1: {  	_ =	task [dreg:s10], $0x5FFFF  }
0xb2: {  	[dreg:$0x1] =	wrdreg $0xFFFFFFFF  }
0xb3: {  	[dreg:$0x0] =	wrdreg $0x60  }
0xb4: {  	[dreg:$0x2] =	wrdreg s16  }
0xb5: {  	[dreg:$0x3] =	wrdreg s15  }
0xb6: {  	[dreg:$0x4] =	wrdreg s24  }
0xb7: {  	[dreg:$0x5] =	wrdreg s17  }
0xb8: {  	[dreg:$0x6] =	wrdreg s18  }
0xb9: {  	[dreg:$0x7] =	wrdreg $0x166800  }
0xba: {  	[dreg:$0x8] =	wrdreg $0x9  }
0xbb: {  	_ =	task.clear_ibuf [dreg:s10], $0x9FFFF;
	_ =	strace $0x90000046  }
0xbc: {  	s29 =	simm.s32 $0x9;
	_ =	strace $0x80000048  }
0xbd: {  	_ =	swait.ge [sflag:s29], $0x1  }
0xbe: {  	[sflag:s29] =	ssyncadd.s32 $0xFFFFFFFF  }
0xbf: {  	_ =	strace $0x90000048  }
0xc0: {  	_ =	sfence  }
0xc1: {  	s30 =	sld [smem:$0x0];
	_ =	sdelay $0x2  }
0xc2: {  	s31 =	sshll.u32 s1, $0xD;
	s1 =	sshrl.u32 s1, $0x2  }
0xc3: {  	s3 =	sand.u32 $0x4000, s31;
	s1 =	sadd.s32 s1, s30  }
0xc4: {  	s0 =	sor.u32 s3, s0;
	s1 =	sshll.u32 s1, $0x11  }
0xc5: {  	s0 =	sor.u32 s1, s0  }
0xc6: {  	s0 =	sadd.s32 $0x8F2B, s0  }
0xc7: {  	[sflag:s0] =	ssyncadd.remote.s32 $0x1  }
0xc8: {  	_ =	sfence.sel $0xFFFF  }
0xc9: {  	[dreg:$0x0] =	wrdreg $0xFFFFFFFF;
	(pc) =	sbr.abs _section_cstart, $3  }
0xca: {  	[dreg:$0x1] =	wrdreg $0xFFFFFFFF  }
0xcb: {  	_ =	task.clear_ibuf [dreg:s10], $0x2FFFF;
	_ =	strace $0x9FFFFFFF  }
0xcc: {  	(tm) =	ssettm $0x7FFFFFFF  }
0xcd: {  	_ =	shalt  }
tec
execute0_lowered:
.L_overlay_start_1:
0x0: {  	(tag) =	ssettag $0x1  }
0x1: {  	v0 =	vimm.s32 $0x7420  }
0x2: {  	v1 =	vimm.s32 $0x87848280;
	vm0 =	vcmask $0xF00;
	vm1 =	vcmask $0x1F10  }
0x3: {  	vm8 =	vcmask $0x2320;
	vm7 =	vcmask $0x2724;
	vm6 =	vcmask $0x2B28  }
0x4: {  	vm5 =	vcmask $0x2F2C;
	v2 =	vlaneseq.u32;
	vm3 =	vcmask $0x3330  }
0x5: {  	vm4 =	vcmask $0x3734;
	vm2 =	vcmask $0x3B38;
	vm14 =	vcmask $0x300  }
0x6: {  	vm13 =	vcmask $0xF0C;
	vm12 =	vcmask $0x1310;
	vm11 =	vcmask $0x1714  }
0x7: {  	vm10 =	vcmask $0x1B18;
	vm9 =	vcmask $0x1F1C;
	v6 =	vimm.s32 $0x587  }
0x8: {  	v7 =	vimm.s32 $0x583;
	v8 =	vimm.s32 $0x787;
	v9 =	vimm.s32 $0x783  }
0x9: {  	v10 =	vimm.s32 $0x987;
	v11 =	vimm.s32 $0x983;
	v12 =	vimm.s32 $0xB87  }
0xa: {  	v13 =	vimm.s32 $0xB83;
	v14 =	vimm.s32 $0xD87;
	v0 =	vunpack.c.l.s4.s8 v0  }
0xb: {  	v15 =	vimm.s32 $0xD83;
	v16 =	vimm.s32 $0xF87;
	v17 =	vimm.s32 $0xF83  }
0xc: {  	v1 =	vunpack.c.0.s8.s32 v1;
	v6 =	vsel vm14, $0x400, v6;
	v0 =	vunpack.c.0.s8.s32 v0  }
0xd: {  	v7 =	vsel vm14, $0x400, v7;
	v8 =	vsel vm14, $0x600, v8;
	v9 =	vsel vm14, $0x600, v9  }
0xe: {  	v10 =	vsel vm14, $0x800, v10;
	v1 =	vand.u32 $0xFF, v1;
	v0 =	vnsel vm0, $0x187, v0  }
0xf: {  	v11 =	vsel vm14, $0x800, v11;
	v12 =	vsel vm14, $0xA00, v12;
	v0 =	vsel vm1, v1, v0  }
0x10: {  	v13 =	vsel vm14, $0xA00, v13;
	v1 =	vimm.s32 $0x3210;
	v0 =	vsel vm8, $0x100, v0  }
0x11: {  	v14 =	vsel vm14, $0xC00, v14;
	v1 =	vunpack.c.l.s4.s8 v1;
	v0 =	vsel vm7, $0x102, v0  }
0x12: {  	v15 =	vsel vm14, $0xC00, v15;
	v16 =	vsel vm14, $0xE00, v16;
	v0 =	vsel vm6, $0x104, v0  }
0x13: {  	v4 =	vunpack.c.0.s8.s32 v1;
	v3 =	vsel vm5, $0x107, v0;
	v0 =	vimm.s32 $0x83828180  }
0x14: {  	v17 =	vsel vm14, $0xE00, v17;
	v1 =	vmul.u32 $0x80, v2;
	v5 =	vunpack.c.0.s8.s32 v0  }
0x15: {  	v0 =	vimm.f32 $0.0e+00;
	v2 =	vsel vm3, $0x180, v3;
	v3 =	vnsel vm0, $0x183, v4  }
0x16: {  	vm0 =	vcmask $0x704;
	v18 =	vor.u32 $0x4000, v1;
	v19 =	vor.u32 $0x4001, v1  }
0x17: {  	v20 =	vor.u32 $0x4002, v1;
	v21 =	vor.u32 $0x4800, v1;
	v22 =	vor.u32 $0x4801, v1  }
0x18: {  	v23 =	vor.u32 $0x4802, v1;
	v24 =	vor.u32 $0x5000, v1;
	v25 =	vor.u32 $0x5001, v1  }
0x19: {  	v26 =	vor.u32 $0x5002, v1;
	v27 =	vor.u32 $0x1, v1;
	v28 =	vor.u32 $0x2, v1  }
0x1a: {  	v29 =	vor.u32 $0x800, v1;
	v30 =	vor.u32 $0x801, v1;
	v31 =	vor.u32 $0x802, v1  }
0x1b: {  	v32 =	vor.u32 $0x1000, v1;
	v33 =	vor.u32 $0x1001, v1;
	v34 =	vor.u32 $0x1002, v1  }
0x1c: {  	v35 =	vor.u32 $0x1800, v1;
	v36 =	vor.u32 $0x1801, v1;
	v37 =	vor.u32 $0x1802, v1  }
0x1d: {  	v38 =	vor.u32 $0x2000, v1;
	v39 =	vor.u32 $0x2001, v1;
	v40 =	vor.u32 $0x2002, v1  }
0x1e: {  	v41 =	vor.u32 $0x2800, v1;
	v42 =	vor.u32 $0x2801, v1;
	v43 =	vor.u32 $0x2802, v1  }
0x1f: {  	v2 =	vsel vm4, $0x182, v2;
	v6 =	vsel vm0, $0x402, v6;
	v7 =	vsel vm0, $0x401, v7  }
0x20: {  	v8 =	vsel vm0, $0x602, v8;
	v9 =	vsel vm0, $0x601, v9;
	v10 =	vsel vm0, $0x802, v10  }
0x21: {  	v11 =	vsel vm0, $0x801, v11;
	v12 =	vsel vm0, $0xA02, v12;
	v13 =	vsel vm0, $0xA01, v13  }
0x22: {  	v14 =	vsel vm0, $0xC02, v14;
	v15 =	vsel vm0, $0xC01, v15;
	v16 =	vsel vm0, $0xE02, v16  }
0x23: {  	v17 =	vsel vm0, $0xE01, v17;
	v4 =	vand.u32 $0xFF, v5;
	v5 =	vimm.s32 $0x383  }
0x24: {  	v2 =	vsel vm2, $0x184, v2;
	v3 =	vsel vm1, v4, v3;
	v4 =	vimm.s32 $0x387  }
0x25: {  	v5 =	vsel vm14, $0x200, v5;
	vm1 =	vcmask $0xB08;
	v4 =	vsel vm14, $0x200, v4  }
0x26: {  	v5 =	vsel vm0, $0x201, v5;
	v3 =	vsel vm8, $0x100, v3;
	v6 =	vsel vm1, $0x404, v6  }
0x27: {  	v7 =	vsel vm1, $0x402, v7;
	v8 =	vsel vm1, $0x604, v8;
	v9 =	vsel vm1, $0x602, v9  }
0x28: {  	v10 =	vsel vm1, $0x804, v10;
	v11 =	vsel vm1, $0x802, v11;
	v12 =	vsel vm1, $0xA04, v12  }
0x29: {  	v13 =	vsel vm1, $0xA02, v13;
	v14 =	vsel vm1, $0xC04, v14;
	v15 =	vsel vm1, $0xC02, v15  }
0x2a: {  	v16 =	vsel vm1, $0xE04, v16;
	v17 =	vsel vm1, $0xE02, v17;
	v4 =	vsel vm0, $0x202, v4  }
0x2b: {  	v5 =	vsel vm1, $0x202, v5;
	v3 =	vsel vm7, $0x101, v3;
	v6 =	vsel vm13, $0x407, v6  }
0x2c: {  	v7 =	vsel vm13, $0x403, v7;
	v8 =	vsel vm13, $0x607, v8;
	v9 =	vsel vm13, $0x603, v9  }
0x2d: {  	v10 =	vsel vm13, $0x807, v10;
	v11 =	vsel vm13, $0x803, v11;
	v12 =	vsel vm13, $0xA07, v12  }
0x2e: {  	v13 =	vsel vm13, $0xA03, v13;
	v14 =	vsel vm13, $0xC07, v14;
	v15 =	vsel vm13, $0xC03, v15  }
0x2f: {  	v16 =	vsel vm13, $0xE07, v16;
	v17 =	vsel vm13, $0xE03, v17;
	v4 =	vsel vm1, $0x204, v4  }
0x30: {  	v5 =	vsel vm13, $0x203, v5;
	v3 =	vsel vm6, $0x102, v3;
	v6 =	vsel vm12, $0x480, v6  }
0x31: {  	v7 =	vsel vm12, $0x480, v7;
	v8 =	vsel vm12, $0x680, v8;
	v9 =	vsel vm12, $0x680, v9  }
0x32: {  	v10 =	vsel vm12, $0x880, v10;
	v11 =	vsel vm12, $0x880, v11;
	v12 =	vsel vm12, $0xA80, v12  }
0x33: {  	v13 =	vsel vm12, $0xA80, v13;
	v14 =	vsel vm12, $0xC80, v14;
	v15 =	vsel vm12, $0xC80, v15  }
0x34: {  	v16 =	vsel vm12, $0xE80, v16;
	v17 =	vsel vm12, $0xE80, v17;
	v4 =	vsel vm13, $0x207, v4  }
0x35: {  	v5 =	vsel vm12, $0x280, v5;
	v3 =	vsel vm5, $0x103, v3;
	v6 =	vsel vm11, $0x482, v6  }
0x36: {  	v7 =	vsel vm11, $0x481, v7;
	v8 =	vsel vm11, $0x682, v8;
	v9 =	vsel vm11, $0x681, v9  }
0x37: {  	v10 =	vsel vm11, $0x882, v10;
	v11 =	vsel vm11, $0x881, v11;
	v12 =	vsel vm11, $0xA82, v12  }
0x38: {  	v13 =	vsel vm11, $0xA81, v13;
	v14 =	vsel vm11, $0xC82, v14;
	v15 =	vsel vm11, $0xC81, v15  }
0x39: {  	v16 =	vsel vm11, $0xE82, v16;
	v17 =	vsel vm11, $0xE81, v17;
	v4 =	vsel vm12, $0x280, v4  }
0x3a: {  	v5 =	vsel vm11, $0x281, v5;
	v3 =	vsel vm3, $0x180, v3;
	v6 =	vsel vm10, $0x484, v6  }
0x3b: {  	v7 =	vsel vm10, $0x482, v7;
	v8 =	vsel vm10, $0x684, v8;
	v9 =	vsel vm10, $0x682, v9  }
0x3c: {  	v10 =	vsel vm10, $0x884, v10;
	v11 =	vsel vm10, $0x882, v11;
	v12 =	vsel vm10, $0xA84, v12  }
0x3d: {  	v13 =	vsel vm10, $0xA82, v13;
	v14 =	vsel vm10, $0xC84, v14;
	v15 =	vsel vm10, $0xC82, v15  }
0x3e: {  	v16 =	vsel vm10, $0xE84, v16;
	v17 =	vsel vm10, $0xE82, v17;
	v4 =	vsel vm11, $0x282, v4  }
0x3f: {  	v5 =	vsel vm10, $0x282, v5;
	v3 =	vsel vm4, $0x181, v3;
	v6 =	vsel vm9, $0x487, v6  }
0x40: {  	v7 =	vsel vm9, $0x483, v7;
	v8 =	vsel vm9, $0x687, v8;
	v9 =	vsel vm9, $0x683, v9  }
0x41: {  	v10 =	vsel vm9, $0x887, v10;
	v11 =	vsel vm9, $0x883, v11;
	v12 =	vsel vm9, $0xA87, v12  }
0x42: {  	v13 =	vsel vm9, $0xA83, v13;
	v14 =	vsel vm9, $0xC87, v14;
	v15 =	vsel vm9, $0xC83, v15  }
0x43: {  	v16 =	vsel vm9, $0xE87, v16;
	v17 =	vsel vm9, $0xE83, v17;
	v4 =	vsel vm10, $0x284, v4  }
0x44: {  	v5 =	vsel vm9, $0x283, v5;
	v3 =	vsel vm2, $0x182, v3;
	v6 =	vsel vm8, $0x500, v6  }
0x45: {  	v7 =	vsel vm8, $0x500, v7;
	v8 =	vsel vm8, $0x700, v8;
	v9 =	vsel vm8, $0x700, v9  }
0x46: {  	v10 =	vsel vm8, $0x900, v10;
	v11 =	vsel vm8, $0x900, v11;
	v12 =	vsel vm8, $0xB00, v12  }
0x47: {  	v13 =	vsel vm8, $0xB00, v13;
	v14 =	vsel vm8, $0xD00, v14;
	v15 =	vsel vm8, $0xD00, v15  }
0x48: {  	v16 =	vsel vm8, $0xF00, v16;
	v17 =	vsel vm8, $0xF00, v17;
	v4 =	vsel vm9, $0x287, v4  }
0x49: {  	v5 =	vsel vm8, $0x300, v5;
	v6 =	vsel vm7, $0x502, v6;
	v7 =	vsel vm7, $0x501, v7  }
0x4a: {  	v8 =	vsel vm7, $0x702, v8;
	v9 =	vsel vm7, $0x701, v9;
	v10 =	vsel vm7, $0x902, v10  }
0x4b: {  	v11 =	vsel vm7, $0x901, v11;
	v12 =	vsel vm7, $0xB02, v12;
	v13 =	vsel vm7, $0xB01, v13  }
0x4c: {  	v14 =	vsel vm7, $0xD02, v14;
	v15 =	vsel vm7, $0xD01, v15;
	v16 =	vsel vm7, $0xF02, v16  }
0x4d: {  	v17 =	vsel vm7, $0xF01, v17;
	v4 =	vsel vm8, $0x300, v4;
	v5 =	vsel vm7, $0x301, v5  }
0x4e: {  	v6 =	vsel vm6, $0x504, v6;
	v7 =	vsel vm6, $0x502, v7;
	v8 =	vsel vm6, $0x704, v8  }
0x4f: {  	s7 =	rddreg [dreg:$0x0];
	v9 =	vsel vm6, $0x702, v9;
	v10 =	vsel vm6, $0x904, v10;
	v11 =	vsel vm6, $0x902, v11  }
0x50: {  	s6 =	rddreg [dreg:$0x1];
	v12 =	vsel vm6, $0xB04, v12;
	v13 =	vsel vm6, $0xB02, v13;
	v14 =	vsel vm6, $0xD04, v14  }
0x51: {  	s8 =	rddreg [dreg:$0x2];
	v15 =	vsel vm6, $0xD02, v15;
	v16 =	vsel vm6, $0xF04, v16;
	v17 =	vsel vm6, $0xF02, v17  }
0x52: {  	s0 =	rddreg [dreg:$0x3];
	v4 =	vsel vm7, $0x302, v4;
	v5 =	vsel vm6, $0x302, v5;
	v6 =	vsel vm5, $0x507, v6  }
0x53: {  	s10 =	rddreg [dreg:$0x4];
	v7 =	vsel vm5, $0x503, v7;
	v8 =	vsel vm5, $0x707, v8;
	v9 =	vsel vm5, $0x703, v9  }
0x54: {  	s1 =	srdreg.scid;
	s3 =	rddreg [dreg:$0x5];
	v10 =	vsel vm5, $0x907, v10;
	v11 =	vsel vm5, $0x903, v11;
	v12 =	vsel vm5, $0xB07, v12  }
0x55: {  	s26 =	stileid.u32;
	s4 =	simm.s32 $0x0;
	s18 =	simm.s32 $0xC80;
	v13 =	vsel vm5, $0xB03, v13;
	v14 =	vsel vm5, $0xD07, v14;
	v15 =	vsel vm5, $0xD03, v15  }
0x56: {  	s19 =	simm.s32 $0x5;
	s20 =	simm.s32 $0x3;
	s21 =	simm.s32 $0xFC80;
	v16 =	vsel vm5, $0xF07, v16;
	v17 =	vsel vm5, $0xF03, v17;
	v4 =	vsel vm6, $0x304, v4  }
0x57: {  	s22 =	simm.s32 $0x4;
	s23 =	simm.s32 $0x10C80;
	s15 =	smul.u32 $0x18700, s26;
	v5 =	vsel vm5, $0x303, v5;
	v6 =	vsel vm3, $0x580, v6;
	v7 =	vsel vm3, $0x580, v7  }
0x58: {  	s24 =	simm.s32 $0x16480;
	s2 =	sand.u32 $0x1, s1;
	s29 =	smul.u32 $0xC3800, s26;
	v8 =	vsel vm3, $0x780, v8;
	v9 =	vsel vm3, $0x780, v9;
	v10 =	vsel vm3, $0x980, v10  }
0x59: {  	[smem:$0x7FF] =	sst s4;
	s17 =	smul.u32 $0x1870, s26;
	s31 =	sshll.u32 s26, $0x4;
	v11 =	vsel vm3, $0x980, v11;
	v12 =	vsel vm3, $0xB80, v12;
	v13 =	vsel vm3, $0xB80, v13  }
0x5a: {  	p0 =	slt.s32 s26, $0xF;
	p2 =	seq.s32 s26, $0xF;
	s5 =	sshll.u32 s2, $0x4;
	v14 =	vsel vm3, $0xD80, v14;
	v15 =	vsel vm3, $0xD80, v15;
	v16 =	vsel vm3, $0xF80, v16  }
0x5b: {  	_ =	strace $0x80000047;
	s14 =	ssub.s32 $0x2, s2;
	s25 =	sor.u32 s26, s2;
	v17 =	vsel vm3, $0xF80, v17;
	v4 =	vsel vm5, $0x307, v4;
	v5 =	vsel vm3, $0x380, v5  }
0x5c: {  	p1 =	sne.s32 s2, $0x0;
	s9 =	sor.u32 s26, s5;
	s5 =	sadd.s32 $0x800, s8;
	v6 =	vsel vm4, $0x582, v6;
	v7 =	vsel vm4, $0x581, v7;
	v8 =	vsel vm4, $0x782, v8  }
0x5d: {  	s28 =	sshrl.u32 s14, $0x1;
	s30 =	sshrl.u32 s29, $0x3;
	p3 =	sne.s32 s25, $0x0;
	v9 =	vsel vm4, $0x781, v9;
	v10 =	vsel vm4, $0x982, v10;
	v11 =	vsel vm4, $0x981, v11  }
0x5e: {  	s25 =	simm.s32 $0x2;
	s26 =	simm.s32 $0x0;
	s11 =	smul.u32 $0xC4, s9;
	v12 =	vsel vm4, $0xB82, v12;
	v13 =	vsel vm4, $0xB81, v13;
	v14 =	vsel vm4, $0xD82, v14  }
0x5f: {  	s9 =	sshll.u32 s9, $0x9;
	s16 =	ssub.s32 s14, s28;
	s14 =	sadd.s32 s31, s3;
	v15 =	vsel vm4, $0xD81, v15;
	v16 =	vsel vm4, $0xF82, v16;
	v17 =	vsel vm4, $0xF81, v17  }
0x60: {  	s12 =	sadd.s32 s9, s8;
	s7 =	sadd.s32 s7, s9;
	s11 =	smin.u32 s11, $0x17A6;
	v4 =	vsel vm3, $0x380, v4;
	v5 =	vsel vm4, $0x381, v5;
	v6 =	vsel vm2, $0x584, v6  }
.Ltmp0:
0x61: {  	s13 =	sshll.u32 s11, $0x8;
	s11 =	sshll.u32 s11, $0x1;
	v7 =	vsel vm2, $0x582, v7;
	v8 =	vsel vm2, $0x784, v8;
	v9 =	vsel vm2, $0x782, v9;
	(pc) =	sbr.rel .LBB2_1-.Ltmp0, $4  }
0x62: {  	s13 =	sadd.s32 s13, s8;
	s6 =	sadd.s32 s6, s11;
	s8 =	sadd.s32 s5, s15;
	v10 =	vsel vm2, $0x984, v10;
	v11 =	vsel vm2, $0x982, v11;
	v12 =	vsel vm2, $0xB84, v12  }
0x63: {  	s10 =	sadd.s32 s10, s11;
	s11 =	sadd.s32 $0x187200, s12;
	s12 =	sadd.s32 $0xB0, s17;
	v13 =	vsel vm2, $0xB82, v13;
	v14 =	vsel vm2, $0xD84, v14;
	v15 =	vsel vm2, $0xD82, v15  }
0x64: {  	s15 =	smax.u32 s16, $0x1;
	s9 =	sadd.s32 $0x18B200, s13;
	s13 =	sadd.s32 s5, s30;
	v16 =	vsel vm2, $0xF84, v16;
	v17 =	vsel vm2, $0xF82, v17;
	v4 =	vsel vm4, $0x382, v4  }
0x65: {  	s16 =	simm.s32 $0xEC80;
	s17 =	simm.s32 $0x1;
	s13 =	sadd.s32 $0x18100, s13;
	v5 =	vsel vm2, $0x382, v5;
	v4 =	vsel vm2, $0x384, v4;
	vm2 =	vmmov $0x1  }
.LBB2_10:
0x66: {  	s1 =	simm.s32 @!p2 $0x0;
	s2 =	simm.s32 @!p2 $0x10C80  }
0x67: {  	[tilespmem:s2], [sflag:$0x4] =	stream.linear.gather @!p2 [hbm4b:s13+s1], $0x3000, $0x38;
	[tilespmem:$0x16690] =	vst v63  }
0x68: {  	s1 =	simm.s32 @!p2 $0x4  }
0x69: {  	_ =	swait.ge @!p2 [sflag:s1], $0x3000  }
0x6a: {  	[sflag:s1] =	ssyncset.done @!p2 $0x0  }
0x6b: {  	[sflag:s1] =	ssyncadd.s32 @!p2 $0xFFFFD000  }
0x6c: {  	v47 =	vld.idx.msk [tilespmem:v1+s23+$0x0], $0xffff  }
0x6d: {  	v48 =	vld.idx.msk [tilespmem:v27+s23+$0x0], $0xffff  }
0x6e: {  	v49 =	vld.idx.msk [tilespmem:v28+s23+$0x0], $0xffff  }
0x6f: {  	v50 =	vld.idx.msk [tilespmem:v29+s23+$0x0], $0xffff  }
0x70: {  	v51 =	vld.idx.msk [tilespmem:v30+s23+$0x0], $0xffff  }
0x71: {  	v52 =	vld.idx.msk [tilespmem:v31+s23+$0x0], $0xffff  }
0x72: {  	v53 =	vld.idx.msk [tilespmem:v32+s23+$0x0], $0xffff  }
0x73: {  	v54 =	vld.idx.msk [tilespmem:v33+s23+$0x0], $0xffff  }
0x74: {  	v55 =	vld.idx.msk [tilespmem:v34+s23+$0x0], $0xffff  }
0x75: {  	v56 =	vld.idx.msk [tilespmem:v35+s23+$0x0], $0xffff;
	v47 =	vpsel !p0, $0x0, v47  }
0x76: {  	v57 =	vld.idx.msk [tilespmem:v37+s23+$0x0], $0xffff;
	v46 =	vadd.f32 v47, v46  }
0x77: {  	v48 =	vpsel !p0, $0x0, v48;
	v50 =	vpsel !p0, $0x0, v50;
	v61 =	vpsel !p0, $0x0, v49;
	v49 =	vld.idx.msk [tilespmem:v38+s23+$0x0], $0xffff  }
0x78: {  	v47 =	vld.idx.msk [tilespmem:v36+s23+$0x0], $0xffff;
	v45 =	vadd.f32 v48, v45;
	v46 =	vadd.f32 v50, v46  }
0x79: {  	v62 =	vpsel !p0, $0x0, v51;
	v63 =	vpsel !p0, $0x0, v53;
	v51 =	vld.idx.msk [tilespmem:v39+s23+$0x0], $0xffff;
	v44 =	vadd.f32 v61, v44  }
0x7a: {  	v53 =	vpsel !p0, $0x0, v52;
	v45 =	vadd.f32 v62, v45;
	v50 =	vld.idx.msk [tilespmem:v41+s23+$0x0], $0xffff;
	v46 =	vadd.f32 v63, v46  }
0x7b: {  	v60 =	vld.idx.msk [tilespmem:v40+s23+$0x0], $0xffff;
	v58 =	vpsel !p0, $0x0, v54;
	v59 =	vpsel !p0, $0x0, v56;
	v44 =	vadd.f32 v53, v44  }
0x7c: {  	v61 =	vpsel !p0, $0x0, v55;
	v62 =	vld.idx.msk [tilespmem:v42+s23+$0x0], $0xffff;
	v45 =	vadd.f32 v58, v45;
	v46 =	vadd.f32 v59, v46  }
0x7d: {  	v44 =	vadd.f32 v61, v44;
	v63 =	vpsel !p0, $0x0, v49;
	v47 =	vpsel !p0, $0x0, v47  }
0x7e: {  	v54 =	vpsel !p0, $0x0, v57;
	v55 =	vld.idx.msk [tilespmem:v43+s23+$0x0], $0xffff;
	v45 =	vadd.f32 v47, v45;
	v46 =	vadd.f32 v63, v46  }
0x7f: {  	v56 =	vpsel !p0, $0x0, v51;
	v44 =	vadd.f32 v54, v44;
	v57 =	vpsel !p0, $0x0, v50  }
0x80: {  	v45 =	vadd.f32 v56, v45;
	v46 =	vadd.f32 v57, v46  }
0x81: {  	v58 =	vpsel !p0, $0x0, v60;
	v59 =	vpsel !p0, $0x0, v62  }
0x82: {  	v44 =	vadd.f32 v58, v44;
	v45 =	vadd.f32 v59, v45;
	(xrf2) =	vadd.scan.msk.f32 $0xffff, v46  }
0x83: {  	v60 =	vpsel !p0, $0x0, v55  }
0x84: {  	v44 =	vadd.f32 v60, v44;
	(xrf2) =	vadd.scan.msk.f32 $0xffff, v45;
	_ =	sdelay $0x1  }
0x85: {  	(xrf2) =	vadd.scan.msk.f32 $0xffff, v44;
	_ =	sdelay $0x5  }
0x86: {  	v61, _, _ =	vpop (xrf2)  }
0x87: {  	v44 =	vbroadcast v61, $0xF  }
0x88: {  	v45, _, _ =	vpop (xrf2)  }
0x89: {  	v45 =	vbroadcast v45, $0xF;
	v44 =	vnsel vm2, $0x0, v44  }
0x8a: {  	v62, _, _ =	vpop (xrf2);
	v44 =	vadd.f32 $0.0e+00, v44  }
0x8b: {  	v46 =	vbroadcast v62, $0xF;
	v45 =	vnsel vm0, $0x0, v45  }
0x8c: {  	v44 =	vadd.f32 v45, v44  }
0x8d: {  	v63 =	vnsel vm1, $0x0, v46  }
0x8e: {  	v44 =	vadd.f32 v63, v44;
	_ =	sdelay $0x1  }
0x8f: {  	[tilespmem:$0x16480] =	vst v44  }
0x90: {  	[spmem:s14] =	stream.linear.scatter [tilespmem:s24], [sflag:$0x5], $0x10, $0x38;
	[tilespmem:$0x16690] =	vst v63  }
0x91: {  	_ =	swait.ge [sflag:s19], $0x10  }
0x92: {  	[sflag:s19] =	ssyncset.done $0x0  }
0x93: {  	[sflag:s19] =	ssyncadd.s32 $0xFFFFFFF0  }
.LBB2_11:
0x94: {  	[bflag:$0x0] =	sbarrier.arrive $0xFFFF;
	s1 =	simm.s32 @!p3 $0x16500  }
0x95: {  	[tilespmem:s1], [sflag:$0x5] =	stream.linear.gather @!p3 [spmem:s3], $0x100, $0x38;
	[tilespmem:$0x16690] =	vst v63  }
0x96: {  	s1 =	simm.s32 @!p3 $0x5  }
0x97: {  	_ =	swait.ge @!p3 [sflag:s1], $0x100  }
0x98: {  	[sflag:s1] =	ssyncset.done @!p3 $0x0  }
0x99: {  	[sflag:s1] =	ssyncadd.s32 @!p3 $0xFFFFFF00  }
0x9a: {  	v44 =	vld @!p3 [tilespmem:$0x16500];
	_ =	sdelay $0x1  }
0x9b: {  	v45 =	vld @!p3 [tilespmem:$0x16510];
	_ =	sdelay $0x1  }
0x9c: {  	v46 =	vld @!p3 [tilespmem:$0x16520]  }
0x9d: {  	v44 =	vadd.f32 @!p3 $0.0e+00, v44  }
0x9e: {  	v47 =	vld @!p3 [tilespmem:$0x16530]  }
0x9f: {  	v44 =	vadd.f32 @!p3 v45, v44  }
0xa0: {  	v45 =	vld @!p3 [tilespmem:$0x16540]  }
0xa1: {  	v44 =	vadd.f32 @!p3 v46, v44  }
0xa2: {  	v46 =	vld @!p3 [tilespmem:$0x16550]  }
0xa3: {  	v44 =	vadd.f32 @!p3 v47, v44  }
0xa4: {  	v47 =	vld @!p3 [tilespmem:$0x16560]  }
0xa5: {  	v44 =	vadd.f32 @!p3 v45, v44  }
0xa6: {  	v45 =	vld @!p3 [tilespmem:$0x16570]  }
0xa7: {  	v44 =	vadd.f32 @!p3 v46, v44  }
0xa8: {  	v46 =	vld @!p3 [tilespmem:$0x16580]  }
0xa9: {  	v44 =	vadd.f32 @!p3 v47, v44  }
0xaa: {  	v47 =	vld @!p3 [tilespmem:$0x16590]  }
0xab: {  	v44 =	vadd.f32 @!p3 v45, v44  }
0xac: {  	v45 =	vld @!p3 [tilespmem:$0x165A0]  }
0xad: {  	v44 =	vadd.f32 @!p3 v46, v44  }
0xae: {  	v46 =	vld @!p3 [tilespmem:$0x165B0]  }
0xaf: {  	v44 =	vadd.f32 @!p3 v47, v44  }
0xb0: {  	v47 =	vld @!p3 [tilespmem:$0x165C0]  }
0xb1: {  	v44 =	vadd.f32 @!p3 v45, v44  }
0xb2: {  	v45 =	vld @!p3 [tilespmem:$0x165D0]  }
0xb3: {  	v44 =	vadd.f32 @!p3 v46, v44  }
0xb4: {  	v46 =	vld @!p3 [tilespmem:$0x165E0]  }
0xb5: {  	v44 =	vadd.f32 @!p3 v47, v44  }
0xb6: {  	v47 =	vld @!p3 [tilespmem:$0x165F0]  }
0xb7: {  	v44 =	vadd.f32 @!p3 v45, v44;
	_ =	sdelay $0x1  }
0xb8: {  	v44 =	vadd.f32 @!p3 v46, v44  }
0xb9: {  	v45 =	vlaneseq.u32 @!p3  }
0xba: {  	v44 =	vadd.f32 @!p3 v47, v44;
	_ =	sdelay $0x1  }
0xbb: {  	v44 =	vmul.f32 @!p3 $9.999999740e-06, v44  }
0xbc: {  	s2 =	simm.s32 @!p3 $0x16600  }
0xbd: {  	s28 =	simm.s32 @!p3 $0x0;
	s26 =	sadd.s32 $0x1, s26;
	[tilespmem:v45+s2+$0x0] =	vst.idx.msk @!p3 $0x7, v44  }
0xbe: {  	[hbm4b:s0+s28] =	stream.linear.scatter @!p3 [tilespmem:s2], [sflag:$0x5], $0x80, $0x38;
	[tilespmem:$0x16690] =	vst v63  }
0xbf: {  	p4 =	sne.s32 s26, s15;
	_ =	swait.ge @!p3 [sflag:s1], $0x80  }
.Ltmp1:
0xc0: {  	[sflag:s1] =	ssyncset.done @!p3 $0x0;
	(pc) =	sbr.rel @!p4 .LBB2_12-.Ltmp1, $4  }
0xc1: {  	[sflag:s1] =	ssyncadd.s32 @!p3 $0xFFFFFF80  }
0xc2: {  	_ =	swait.ge [sflag:s25], $0xC40  }
0xc3: {  	[sflag:s25] =	ssyncset.done $0x0  }
0xc4: {  	[sflag:s25] =	ssyncadd.s32 $0xFFFFF3C0  }
.LBB2_1:
0xc5: {  	[tilespmem:s4], [sflag:$0x1] =	stream.linear.gather [hbm4b:s6+s4], $0xC40, $0x38;
	[tilespmem:$0x16690] =	vst v63  }
0xc6: {  	_ = 	snop  }
0xc7: {  	[tilespmem:s16], [sflag:$0x3] =	stream.linear.gather [hbm4b:s7+s4], $0x1000, $0x38;
	[tilespmem:$0x16690] =	vst v63  }
0xc8: {  	s2 =	simm.s32 @!p1 $0x0;
	s28 =	simm.s32 @!p1 $0x10C80  }
0xc9: {  	[tilespmem:s28], [sflag:$0x4] =	stream.linear.gather @!p1 [hbm4b:s8+s2], $0x5800, $0x38;
	[tilespmem:$0x16690] =	vst v63  }
0xca: {  	_ =	swait.ge [sflag:s17], $0xC40  }
0xcb: {  	[sflag:s17] =	ssyncset.done $0x0  }
0xcc: {  	s29 =	simm.s32 $0x0;
	s2 =	simm.s32 $0x20;
	[sflag:s17] =	ssyncadd.s32 $0xFFFFF3C0  }
0xcd: {  	[hbm4b:s10+s4] =	stream.linear.scatter [tilespmem:s4], [sflag:$0x2], $0xC40, $0x38;
	[tilespmem:$0x16690] =	vst v63  }
.LBB2_2:
0xce: {  	v44 =	vld [tilespmem:s2+$0xFFFFFFE0]  }
0xcf: {  	s28 =	simm.s32 $0x0  }
0xd0: {  	v45 =	vmov s28  }
0xd1: {  	v45 =	vshll.u32 v45, $0x7  }
0xd2: {  	v45 =	vor.u32 v1, v45  }
0xd3: {  	v46 =	vor.u32 $0x1, v45;
	vm3 =	veq.s32 v44, $0x1;
	v44 =	vadd.s32 $0xFFFFFFFB, v44  }
0xd4: {  	v47 =	vor.u32 $0x2, v45;
	v44 =	vsel vm3, $0x0, v44  }
0xd5: {  	v48 =	vor.u32 $0x3, v45;
	vm3 =	veq.s32 v44, $0x0  }
0xd6: {  	v49 =	vor.u32 $0x4, v45;
	vm4 =	veq.s32 v44, $0x1;
	v50 =	vsel vm3, $0x3F800000, v0  }
0xd7: {  	vm3 =	veq.s32 v44, $0x2;
	v51 =	vsel vm4, $0x3F800000, v0;
	[tilespmem:v45+s18+$0x0] =	vst.idx.msk $0xffff, v50  }
0xd8: {  	vm9 =	veq.s32 v44, $0x3;
	v58 =	vsel vm3, $0x3F800000, v0;
	[tilespmem:v46+s18+$0x0] =	vst.idx.msk $0xffff, v51  }
0xd9: {  	v59 =	vsel vm9, $0x3F800000, v0;
	vm3 =	veq.s32 v44, $0x4;
	[tilespmem:v47+s18+$0x0] =	vst.idx.msk $0xffff, v58  }
0xda: {  	v44 =	vsel vm3, $0x3F800000, v0;
	[tilespmem:v48+s18+$0x0] =	vst.idx.msk $0xffff, v59  }
0xdb: {  	[tilespmem:v49+s18+$0x0] =	vst.idx.msk $0xffff, v44  }
0xdc: {  	v44 =	vld [tilespmem:s2+$0xFFFFFFF0]  }
0xdd: {  	s28 =	simm.s32 $0x10  }
0xde: {  	v60 =	vmov s28  }
0xdf: {  	v45 =	vshll.u32 v60, $0x7  }
0xe0: {  	v45 =	vor.u32 v1, v45  }
0xe1: {  	v61 =	vor.u32 $0x1, v45;
	vm3 =	veq.s32 v44, $0x1;
	v44 =	vadd.s32 $0xFFFFFFFB, v44  }
0xe2: {  	v62 =	vor.u32 $0x2, v45;
	v44 =	vsel vm3, $0x0, v44  }
0xe3: {  	v63 =	vor.u32 $0x3, v45;
	vm3 =	veq.s32 v44, $0x0  }
0xe4: {  	v54 =	vor.u32 $0x4, v45;
	vm10 =	veq.s32 v44, $0x1;
	v55 =	vsel vm3, $0x3F800000, v0  }
0xe5: {  	vm3 =	veq.s32 v44, $0x2;
	v56 =	vsel vm10, $0x3F800000, v0;
	[tilespmem:v45+s18+$0x0] =	vst.idx.msk $0xffff, v55  }
0xe6: {  	vm11 =	veq.s32 v44, $0x3;
	v57 =	vsel vm3, $0x3F800000, v0;
	[tilespmem:v61+s18+$0x0] =	vst.idx.msk $0xffff, v56  }
0xe7: {  	v58 =	vsel vm11, $0x3F800000, v0;
	vm3 =	veq.s32 v44, $0x4;
	[tilespmem:v62+s18+$0x0] =	vst.idx.msk $0xffff, v57  }
0xe8: {  	v44 =	vsel vm3, $0x3F800000, v0;
	[tilespmem:v63+s18+$0x0] =	vst.idx.msk $0xffff, v58  }
0xe9: {  	[tilespmem:v54+s18+$0x0] =	vst.idx.msk $0xffff, v44  }
0xea: {  	v44 =	vld [tilespmem:s2+$0x0]  }
0xeb: {  	s28 =	simm.s32 $0x20  }
0xec: {  	v59 =	vmov s28  }
0xed: {  	v45 =	vshll.u32 v59, $0x7  }
0xee: {  	v45 =	vor.u32 v1, v45  }
0xef: {  	v60 =	vor.u32 $0x1, v45;
	vm3 =	veq.s32 v44, $0x1;
	v44 =	vadd.s32 $0xFFFFFFFB, v44  }
0xf0: {  	v61 =	vor.u32 $0x2, v45;
	v44 =	vsel vm3, $0x0, v44  }
0xf1: {  	v62 =	vor.u32 $0x3, v45;
	vm3 =	veq.s32 v44, $0x0  }
0xf2: {  	v63 =	vor.u32 $0x4, v45;
	vm12 =	veq.s32 v44, $0x1;
	v54 =	vsel vm3, $0x3F800000, v0  }
0xf3: {  	vm3 =	veq.s32 v44, $0x2;
	v55 =	vsel vm12, $0x3F800000, v0;
	[tilespmem:v45+s18+$0x0] =	vst.idx.msk $0xffff, v54  }
0xf4: {  	vm13 =	veq.s32 v44, $0x3;
	v56 =	vsel vm3, $0x3F800000, v0;
	[tilespmem:v60+s18+$0x0] =	vst.idx.msk $0xffff, v55  }
0xf5: {  	v57 =	vsel vm13, $0x3F800000, v0;
	vm3 =	veq.s32 v44, $0x4;
	[tilespmem:v61+s18+$0x0] =	vst.idx.msk $0xffff, v56  }
0xf6: {  	v44 =	vsel vm3, $0x3F800000, v0;
	[tilespmem:v62+s18+$0x0] =	vst.idx.msk $0xffff, v57  }
0xf7: {  	[tilespmem:v63+s18+$0x0] =	vst.idx.msk $0xffff, v44  }
0xf8: {  	v44 =	vld [tilespmem:s2+$0x10]  }
0xf9: {  	s30 =	simm.s32 $0x30  }
0xfa: {  	v58 =	vmov s30  }
0xfb: {  	v45 =	vshll.u32 v58, $0x7  }
0xfc: {  	v59 =	vor.u32 v1, v45  }
0xfd: {  	v60 =	vor.u32 $0x1, v59;
	vm3 =	veq.s32 v44, $0x1;
	v44 =	vadd.s32 $0xFFFFFFFB, v44  }
0xfe: {  	v46 =	vor.u32 $0x2, v59;
	v61 =	vsel vm3, $0x0, v44  }
0xff: {  	v45 =	vor.u32 $0x4, v59;
	v44 =	vor.u32 $0x3, v59;
	vm3 =	veq.s32 v61, $0x0  }
0x100: {  	vm14 =	veq.s32 v61, $0x1;
	vm5 =	veq.s32 v61, $0x2;
	v62 =	vsel vm3, $0x3F800000, v0  }
0x101: {  	vm15 =	veq.s32 v61, $0x4;
	v63 =	vsel vm14, $0x3F800000, v0;
	vm3 =	veq.s32 v61, $0x3;
	[tilespmem:v59+s18+$0x0] =	vst.idx.msk $0xffff, v62  }
0x102: {  	s31 =	simm.s32 $0x0;
	s28 =	smov.u32 s2;
	v49 =	vsel vm5, $0x3F800000, v0;
	v48 =	vsel vm15, $0x3F800000, v0;
	v47 =	vsel vm3, $0x3F800000, v0;
	[tilespmem:v60+s18+$0x0] =	vst.idx.msk $0xffff, v63  }
.LBB2_3:
0x103: {  	s31 =	sadd.s32 $0x4, s31;
	[tilespmem:v46+s18+$0x0] =	vst.idx.msk $0xffff, v49;
	s30 =	sadd.s32 $0x40, s30;
	s28 =	sadd.s32 $0x40, s28  }
0x104: {  	p4 =	slt.u32 s31, $0x18;
	[tilespmem:v44+s18+$0x0] =	vst.idx.msk $0xffff, v47  }
0x105: {  	s1 =	sadd.s32 $0xFFFFFFD0, s30;
	[tilespmem:v45+s18+$0x0] =	vst.idx.msk $0xffff, v48  }
0x106: {  	v45 =	vmov s1;
	v44 =	vld [tilespmem:s28+$0xFFFFFFE0]  }
0x107: {  	v45 =	vshll.u32 v45, $0x7  }
0x108: {  	v45 =	vor.u32 v1, v45  }
0x109: {  	v46 =	vor.u32 $0x3, v45  }
0x10a: {  	v47 =	vor.u32 $0x1, v45;
	v48 =	vor.u32 $0x2, v45  }
0x10b: {  	vm3 =	veq.s32 v44, $0x1;
	v44 =	vadd.s32 $0xFFFFFFFB, v44  }
0x10c: {  	v49 =	vor.u32 $0x4, v45;
	v44 =	vsel vm3, $0x0, v44  }
0x10d: {  	vm3 =	veq.s32 v44, $0x0;
	vm4 =	veq.s32 v44, $0x1;
	vm5 =	veq.s32 v44, $0x2  }
0x10e: {  	v50 =	vsel vm3, $0x3F800000, v0;
	v51 =	vsel vm4, $0x3F800000, v0;
	vm3 =	veq.s32 v44, $0x3  }
0x10f: {  	[tilespmem:v45+s18+$0x0] =	vst.idx.msk $0xffff, v50;
	v45 =	vsel vm3, $0x3F800000, v0;
	vm3 =	veq.s32 v44, $0x4  }
0x110: {  	v44 =	vsel vm5, $0x3F800000, v0;
	[tilespmem:v47+s18+$0x0] =	vst.idx.msk $0xffff, v51;
	v47 =	vsel vm3, $0x3F800000, v0  }
0x111: {  	[tilespmem:v48+s18+$0x0] =	vst.idx.msk $0xffff, v44  }
0x112: {  	[tilespmem:v46+s18+$0x0] =	vst.idx.msk $0xffff, v45  }
0x113: {  	s1 =	sadd.s32 $0xFFFFFFE0, s30;
	[tilespmem:v49+s18+$0x0] =	vst.idx.msk $0xffff, v47  }
0x114: {  	v45 =	vmov s1;
	v44 =	vld [tilespmem:s28+$0xFFFFFFF0]  }
0x115: {  	v45 =	vshll.u32 v45, $0x7  }
0x116: {  	v45 =	vor.u32 v1, v45  }
0x117: {  	v46 =	vor.u32 $0x1, v45  }
0x118: {  	v47 =	vor.u32 $0x2, v45  }
0x119: {  	v48 =	vor.u32 $0x3, v45;
	vm3 =	veq.s32 v44, $0x1;
	v44 =	vadd.s32 $0xFFFFFFFB, v44  }
0x11a: {  	v49 =	vor.u32 $0x4, v45;
	v44 =	vsel vm3, $0x0, v44  }
0x11b: {  	vm3 =	veq.s32 v44, $0x0;
	vm4 =	veq.s32 v44, $0x1;
	vm5 =	veq.s32 v44, $0x2  }
0x11c: {  	v50 =	vsel vm3, $0x3F800000, v0;
	v51 =	vsel vm4, $0x3F800000, v0;
	vm3 =	veq.s32 v44, $0x3  }
0x11d: {  	[tilespmem:v45+s18+$0x0] =	vst.idx.msk $0xffff, v50;
	v45 =	vsel vm3, $0x3F800000, v0;
	vm3 =	veq.s32 v44, $0x4  }
0x11e: {  	v44 =	vsel vm5, $0x3F800000, v0;
	[tilespmem:v46+s18+$0x0] =	vst.idx.msk $0xffff, v51;
	v46 =	vsel vm3, $0x3F800000, v0  }
0x11f: {  	[tilespmem:v47+s18+$0x0] =	vst.idx.msk $0xffff, v44  }
0x120: {  	[tilespmem:v48+s18+$0x0] =	vst.idx.msk $0xffff, v45  }
0x121: {  	s1 =	sadd.s32 $0xFFFFFFF0, s30;
	[tilespmem:v49+s18+$0x0] =	vst.idx.msk $0xffff, v46  }
0x122: {  	v45 =	vmov s1;
	v44 =	vld [tilespmem:s28+$0x0]  }
0x123: {  	v45 =	vshll.u32 v45, $0x7  }
0x124: {  	v45 =	vor.u32 v1, v45  }
0x125: {  	v46 =	vor.u32 $0x1, v45  }
0x126: {  	v47 =	vor.u32 $0x2, v45  }
0x127: {  	v48 =	vor.u32 $0x3, v45;
	vm3 =	veq.s32 v44, $0x1;
	v44 =	vadd.s32 $0xFFFFFFFB, v44  }
0x128: {  	v49 =	vor.u32 $0x4, v45;
	v44 =	vsel vm3, $0x0, v44  }
0x129: {  	vm3 =	veq.s32 v44, $0x0;
	vm4 =	veq.s32 v44, $0x1;
	vm5 =	veq.s32 v44, $0x2  }
0x12a: {  	v50 =	vsel vm3, $0x3F800000, v0;
	v51 =	vsel vm4, $0x3F800000, v0;
	vm3 =	veq.s32 v44, $0x3  }
0x12b: {  	[tilespmem:v45+s18+$0x0] =	vst.idx.msk $0xffff, v50;
	v45 =	vsel vm3, $0x3F800000, v0;
	vm3 =	veq.s32 v44, $0x4  }
0x12c: {  	v44 =	vsel vm5, $0x3F800000, v0;
	[tilespmem:v46+s18+$0x0] =	vst.idx.msk $0xffff, v51;
	v46 =	vsel vm3, $0x3F800000, v0  }
0x12d: {  	[tilespmem:v47+s18+$0x0] =	vst.idx.msk $0xffff, v44  }
0x12e: {  	[tilespmem:v48+s18+$0x0] =	vst.idx.msk $0xffff, v45  }
0x12f: {  	[tilespmem:v49+s18+$0x0] =	vst.idx.msk $0xffff, v46  }
0x130: {  	v45 =	vmov s30;
	v44 =	vld [tilespmem:s28+$0x10]  }
0x131: {  	v45 =	vshll.u32 v45, $0x7  }
0x132: {  	v47 =	vor.u32 v1, v45  }
0x133: {  	v48 =	vor.u32 $0x1, v47  }
0x134: {  	v46 =	vor.u32 $0x2, v47  }
0x135: {  	vm3 =	veq.s32 v44, $0x1;
	v45 =	vadd.s32 $0xFFFFFFFB, v44;
	v44 =	vor.u32 $0x3, v47  }
.Ltmp2:
0x136: {  	v49 =	vsel vm3, $0x0, v45;
	v45 =	vor.u32 $0x4, v47;
	(pc) =	sbr.rel @p4 .LBB2_3-.Ltmp2, $4  }
0x137: {  	vm3 =	veq.s32 v49, $0x0;
	vm4 =	veq.s32 v49, $0x1;
	vm5 =	veq.s32 v49, $0x2  }
0x138: {  	v50 =	vsel vm3, $0x3F800000, v0;
	v51 =	vsel vm4, $0x3F800000, v0;
	vm3 =	veq.s32 v49, $0x3  }
0x139: {  	[tilespmem:v47+s18+$0x0] =	vst.idx.msk $0xffff, v50;
	v47 =	vsel vm3, $0x3F800000, v0;
	vm3 =	veq.s32 v49, $0x4  }
0x13a: {  	v49 =	vsel vm5, $0x3F800000, v0;
	[tilespmem:v48+s18+$0x0] =	vst.idx.msk $0xffff, v51;
	v48 =	vsel vm3, $0x3F800000, v0  }
0x13b: {  	_ =	sdelay $0x3  }
0x13c: {  	[tilespmem:v46+s18+$0x0] =	vst.idx.msk $0xffff, v49;
	s1 =	smul.u32 $0x1C00, s29;
	s29 =	sadd.s32 $0x1, s29  }
0x13d: {  	[tilespmem:v44+s18+$0x0] =	vst.idx.msk $0xffff, v47;
	p4 =	sne.s32 s29, $0x7  }
.Ltmp3:
0x13e: {  	[tilespmem:v45+s18+$0x0] =	vst.idx.msk $0xffff, v48;
	s1 =	sadd.s32 s1, s9;
	(pc) =	sbr.rel @p4 .LBB2_2-.Ltmp3, $4  }
0x13f: {  	[hbm4b:s1+s4] =	stream.linear.scatter [tilespmem:s18], [sflag:$0x5], $0xE000, $0x38;
	[tilespmem:$0x16690] =	vst v63  }
0x140: {  	_ =	swait.ge [sflag:s19], $0xE000  }
0x141: {  	[sflag:s19] =	ssyncset.done $0x0  }
0x142: {  	s2 =	sadd.s32 $0x1C0, s2;
	[sflag:s19] =	ssyncadd.s32 $0xFFFF2000  }
0x143: {  	_ = 	snop  }
0x144: {  	_ =	swait.ge [sflag:s20], $0x1000  }
0x145: {  	[sflag:s20] =	ssyncset.done $0x0  }
0x146: {  	[sflag:s20] =	ssyncadd.s32 $0xFFFFF000  }
0x147: {  	v44 =	vld.idx.msk [tilespmem:v2+s16+$0x0], $0xffff;
	_ =	sdelay $0x4  }
0x148: {  	[tilespmem:v3+s21+$0x0] =	vst.idx.msk $0xffff, v44  }
0x149: {  	v44 =	vld.idx.msk [tilespmem:v4+s16+$0x0], $0xffff;
	_ =	sdelay $0x4  }
0x14a: {  	[tilespmem:v5+s21+$0x0] =	vst.idx.msk $0xffff, v44  }
0x14b: {  	v44 =	vld.idx.msk [tilespmem:v6+s16+$0x0], $0xffff;
	_ =	sdelay $0x4  }
0x14c: {  	[tilespmem:v7+s21+$0x0] =	vst.idx.msk $0xffff, v44  }
0x14d: {  	v44 =	vld.idx.msk [tilespmem:v8+s16+$0x0], $0xffff;
	_ =	sdelay $0x4  }
0x14e: {  	[tilespmem:v9+s21+$0x0] =	vst.idx.msk $0xffff, v44  }
0x14f: {  	v44 =	vld.idx.msk [tilespmem:v10+s16+$0x0], $0xffff;
	_ =	sdelay $0x4  }
0x150: {  	[tilespmem:v11+s21+$0x0] =	vst.idx.msk $0xffff, v44  }
0x151: {  	v44 =	vld.idx.msk [tilespmem:v12+s16+$0x0], $0xffff;
	_ =	sdelay $0x4  }
0x152: {  	[tilespmem:v13+s21+$0x0] =	vst.idx.msk $0xffff, v44  }
0x153: {  	v44 =	vld.idx.msk [tilespmem:v14+s16+$0x0], $0xffff;
	_ =	sdelay $0x4  }
0x154: {  	[tilespmem:v15+s21+$0x0] =	vst.idx.msk $0xffff, v44  }
0x155: {  	v44 =	vld.idx.msk [tilespmem:v16+s16+$0x0], $0xffff;
	_ =	sdelay $0x4  }
.Ltmp4:
0x156: {  	s2 =	simm.s32 $0x0;
	[tilespmem:v17+s21+$0x0] =	vst.idx.msk $0xffff, v44;
	(pc) =	sbr.rel @p1 .LBB2_11-.Ltmp4, $4  }
0x157: {  	[hbm4b:s11+s2] =	stream.linear.scatter [tilespmem:s21], [sflag:$0x5], $0x1000, $0x38;
	[tilespmem:$0x16690] =	vst v63  }
0x158: {  	_ =	swait.ge [sflag:s19], $0x1000  }
0x159: {  	[sflag:s19] =	ssyncset.done $0x0  }
0x15a: {  	v45 =	vimm.f32 $0.0e+00;
	v46 =	vimm.f32 $0.0e+00;
	v44 =	vimm.f32 $0.0e+00;
	[sflag:s19] =	ssyncadd.s32 $0xFFFFF000  }
.LBB2_6:
0x15b: {  	_ =	swait.ge [sflag:s22], $0x5800  }
0x15c: {  	[sflag:s22] =	ssyncset.done $0x0  }
0x15d: {  	p4 =	por $0x1, $0x1;
	s28 =	simm.s32 $0x0;
	[sflag:s22] =	ssyncadd.s32 $0xFFFFA800  }
.LBB2_7:
0x15e: {  	v47 =	vmov s28  }
0x15f: {  	v47 =	vshll.u32 v47, $0x7  }
0x160: {  	s1 =	sor.u32 $0x10, s28;
	v47 =	vor.u32 v1, v47  }
0x161: {  	s30 =	sor.u32 $0x20, s28;
	v49 =	vmov s1;
	v48 =	vor.u32 $0x1, v47  }
0x162: {  	s31 =	sor.u32 $0x30, s28;
	v52 =	vmov s30;
	v49 =	vshll.u32 v49, $0x7;
	v50 =	vor.u32 $0x2, v47  }
0x163: {  	v55 =	vmov s31;
	v52 =	vshll.u32 v52, $0x7;
	v49 =	vor.u32 v1, v49  }
0x164: {  	v55 =	vshll.u32 v55, $0x7;
	v52 =	vor.u32 v1, v52  }
0x165: {  	v55 =	vor.u32 v1, v55;
	v47 =	vld.idx.msk [tilespmem:v47+s23+$0x0], $0xffff  }
0x166: {  	v51 =	vor.u32 $0x1, v49;
	v48 =	vld.idx.msk [tilespmem:v48+s23+$0x0], $0xffff  }
0x167: {  	v53 =	vor.u32 $0x2, v49;
	v50 =	vld.idx.msk [tilespmem:v50+s23+$0x0], $0xffff  }
0x168: {  	v54 =	vor.u32 $0x1, v52;
	v49 =	vld.idx.msk [tilespmem:v49+s23+$0x0], $0xffff  }
0x169: {  	v56 =	vor.u32 $0x2, v52;
	v52 =	vld.idx.msk [tilespmem:v52+s23+$0x0], $0xffff  }
0x16a: {  	v57 =	vor.u32 $0x1, v55;
	v61 =	vld.idx.msk [tilespmem:v55+s23+$0x0], $0xffff  }
0x16b: {  	v58 =	vor.u32 $0x2, v55;
	v51 =	vld.idx.msk [tilespmem:v51+s23+$0x0], $0xffff  }
0x16c: {  	v53 =	vld.idx.msk [tilespmem:v53+s23+$0x0], $0xffff  }
0x16d: {  	v54 =	vld.idx.msk [tilespmem:v54+s23+$0x0], $0xffff  }
0x16e: {  	v56 =	vld.idx.msk [tilespmem:v56+s23+$0x0], $0xffff;
	v46 =	vadd.f32 v47, v46  }
0x16f: {  	v62 =	vld.idx.msk [tilespmem:v57+s23+$0x0], $0xffff;
	v45 =	vadd.f32 v48, v45;
	v44 =	vadd.f32 v50, v44  }
0x170: {  	p5 =	por p4, p4;
	v63 =	vld.idx.msk [tilespmem:v58+s23+$0x0], $0xffff;
	v46 =	vadd.f32 v49, v46  }
.Ltmp5:
0x171: {  	v45 =	vadd.f32 v51, v45;
	v44 =	vadd.f32 v53, v44;
	(pc) =	sbr.rel @p5 .LBB2_7-.Ltmp5, $4  }
0x172: {  	v46 =	vadd.f32 v52, v46  }
0x173: {  	v45 =	vadd.f32 v54, v45;
	v44 =	vadd.f32 v56, v44  }
0x174: {  	v46 =	vadd.f32 v61, v46  }
0x175: {  	s28 =	simm.s32 $0x40;
	p4 =	por $0x0, $0x0;
	v45 =	vadd.f32 v62, v45;
	v44 =	vadd.f32 v63, v44  }
0x176: {  	_ =	sdelay $0x3  }
0x177: {  	v47 =	vld.idx.msk [tilespmem:v18+s23+$0x0], $0xffff  }
0x178: {  	v48 =	vld.idx.msk [tilespmem:v19+s23+$0x0], $0xffff  }
0x179: {  	v49 =	vld.idx.msk [tilespmem:v20+s23+$0x0], $0xffff  }
0x17a: {  	v50 =	vld.idx.msk [tilespmem:v21+s23+$0x0], $0xffff  }
0x17b: {  	v51 =	vld.idx.msk [tilespmem:v22+s23+$0x0], $0xffff  }
0x17c: {  	v52 =	vld.idx.msk [tilespmem:v23+s23+$0x0], $0xffff  }
0x17d: {  	v53 =	vld.idx.msk [tilespmem:v24+s23+$0x0], $0xffff  }
0x17e: {  	v54 =	vld.idx.msk [tilespmem:v25+s23+$0x0], $0xffff  }
0x17f: {  	v63 =	vld.idx.msk [tilespmem:v26+s23+$0x0], $0xffff;
	p4 =	seq.s32 s2, $0x22;
	v46 =	vadd.f32 v47, v46  }
.Ltmp6:
0x180: {  	v45 =	vadd.f32 v48, v45;
	v44 =	vadd.f32 v49, v44;
	(pc) =	sbr.rel @p4 .LBB2_10-.Ltmp6, $4  }
0x181: {  	v46 =	vadd.f32 v50, v46  }
0x182: {  	v45 =	vadd.f32 v51, v45;
	v44 =	vadd.f32 v52, v44  }
0x183: {  	v46 =	vadd.f32 v53, v46  }
0x184: {  	v45 =	vadd.f32 v54, v45;
	v44 =	vadd.f32 v63, v44  }
0x185: {  	s1 =	smul.u32 $0xB0, s2  }
.Ltmp7:
0x186: {  	_ = 	snop;
	(pc) =	sbr.rel .LBB2_6-.Ltmp7, $4  }
0x187: {  	s1 =	sadd.s32 s1, s12  }
0x188: {  	s1 =	sshll.u32 s1, $0x4  }
0x189: {  	s2 =	sadd.s32 $0x1, s2;
	s1 =	sadd.s32 s5, s1  }
0x18a: {  	[tilespmem:s23], [sflag:$0x4] =	stream.linear.gather [hbm4b:s1+s4], $0x5800, $0x38;
	[tilespmem:$0x16690] =	vst v63  }
.LBB2_12:
0x18b: {  	_ =	sfence.sel $0x180000  }
0x18c: {  	[bflag:$0x0] =	sbarrier.arrive $0xFFFF  }
0x18d: {  	_ =	strace $0x90000047  }
0x18e: {  	s0 =	stileid.u32;
	[bflag:$0x2] =	sbarrier.arrive $0xFFFF  }
0x18f: {  	p0 =	sne.s32 s0, $0x0;
	s0 =	rddreg [dreg:$0x6]  }
0x190: {  	s0 =	sadd.s32 @!p0 $0x100000, s0  }
0x191: {  	[sflag:s0] =	ssyncadd.tile.s32 @!p0 $0x1;
	_ =	shalt  }
.Lfunc_end2:
_tile_overlayer_lowered:
.L_overlay_start_2:
0x192: {  	(tag) =	ssettag $0x2  }
0x193: {  	s0 =	rddreg [dreg:$0x0];
	s2 =	stileid.u32  }
0x194: {  	s1 =	rddreg [dreg:$0x1];
	p0 =	sne.s32 s2, $0x0  }
0x195: {  	s3 =	rddreg [dreg:$0x2];
	[bflag:$0x3] =	sbarrier.arrive $0xFFFF;
	s2 =	simm.s32 @!p0 $0x1C05  }
0x196: {  	[timem:s3], [sflag:s2] =	dma.local @!p0 [hbm:s0], s1  }
0x197: {  	s0 =	simm.s32 @!p0 $0x5  }
0x198: {  	_ =	swait.ge @!p0 [sflag:s0], s1  }
0x199: {  	s1 =	ssub.s32 @!p0 $0x0, s1;
	[sflag:s0] =	ssyncset.done @!p0 $0x0  }
0x19a: {  	[sflag:s0] =	ssyncadd.s32 @!p0 s1  }
0x19b: {  	[bflag:$0x3] =	sbarrier.arrive $0xFFFF  }
0x19c: {  	_ =	shalt  }

</sc_bundles>
